<compile_context>
chip_gen: v7x
topology: tpu7x:2x2x1
jax: 0.10.2.dev20260603
libtpu: 0.0.44.dev20260713+nightly
codegen_flags: <defaults>
</compile_context>

<pallas_src>
import jax
import jax.numpy as jnp
from jax import lax
from jax.experimental import pallas as pl
from jax.experimental.pallas import tpu as pltpu
from jax.experimental.pallas import tpu_sc as plsc

VOCAB = 1000000
BATCH = 4096
SEQ = 200
DIM = 64
NUM_CORES = 2
NUM_SUBCORES = 16
NUM_WORKERS = NUM_CORES * NUM_SUBCORES
BPW = BATCH // NUM_WORKERS
CHUNK = 96
TAIL = SEQ - 2 * CHUNK
NCHUNK = 3
CSIZES = (CHUNK, CHUNK, TAIL)
ROWS = SEQ
LANES = 16
NVEC = DIM // LANES

TRB = 16384
PAIR = 2 * TRB
NBLK = (VOCAB + PAIR - 1) // PAIR
PACK_ROWS = NBLK * TRB
SC_ROWS = 2 * PACK_ROWS


def _pack_body(x1_ref, x2_ref, o_ref):
    o_ref[...] = jnp.concatenate([x1_ref[...], x2_ref[...]], axis=0).T


def _to_row_major(table_t):
    return pl.pallas_call(
        _pack_body,
        grid=(NBLK,),
        in_specs=[
            pl.BlockSpec((DIM, TRB), lambda i: (0, 2 * i)),
            pl.BlockSpec(
                (DIM, TRB),
                lambda i: (0, jnp.minimum(2 * i + 1, VOCAB // TRB)),
            ),
        ],
        out_specs=pl.BlockSpec((TRB, 2 * DIM), lambda i: (i, 0)),
        out_shape=jax.ShapeDtypeStruct((PACK_ROWS, 2 * DIM), jnp.float32),
    )(table_t, table_t)


def _swem_body(idx_hbm, table_hbm, out_hbm, idx_v, rows_a, rows_b, out_v,
               sem_a, sem_b):
    wid = lax.axis_index("s") * NUM_CORES + lax.axis_index("c")
    base = wid * BPW

    pltpu.sync_copy(idx_hbm.at[pl.ds(base, BPW)], idx_v)

    def remap(e, _):
        for j in range(NCHUNK):
            for k in range(CHUNK // LANES):
                v = idx_v[e, j, pl.ds(k * LANES, LANES)]
                r = v & (PAIR - 1)
                adj = jnp.where(r >= TRB, PAIR - 1, 0)
                idx_v[e, j, pl.ds(k * LANES, LANES)] = v + r - adj
        return 0

    lax.fori_loop(0, BPW, remap, 0)

    def fire(e, rows_ref, sem):
        for j in range(NCHUNK):
            pltpu.async_copy(
                table_hbm.at[idx_v.at[e, j, pl.ds(0, CSIZES[j])]],
                rows_ref.at[pl.ds(j * CHUNK, CSIZES[j])],
                sem,
            )

    def drain(rows_ref, sem):
        for j in range(NCHUNK):
            pltpu.make_async_copy(
                table_hbm.at[idx_v.at[0, j, pl.ds(0, CSIZES[j])]],
                rows_ref.at[pl.ds(j * CHUNK, CSIZES[j])],
                sem,
            ).wait()

    def reduce_into(e, rows_ref):
        def body(r, accs):
            return tuple(
                accs[c] + rows_ref[r, pl.ds(c * LANES, LANES)]
                for c in range(NVEC)
            )

        zero = jnp.zeros((LANES,), jnp.float32)
        accs = lax.fori_loop(0, SEQ, body, (zero,) * NVEC, unroll=8)
        for c in range(NVEC):
            out_v[e, pl.ds(c * LANES, LANES)] = accs[c] * (1.0 / SEQ)

    fire(0, rows_a, sem_a)

    def outer(i, _):
        e = 2 * i
        fire(e + 1, rows_b, sem_b)
        drain(rows_a, sem_a)
        reduce_into(e, rows_a)

        @pl.when(e + 2 < BPW)
        def _():
            fire(e + 2, rows_a, sem_a)

        drain(rows_b, sem_b)
        reduce_into(e + 1, rows_b)
        return 0

    lax.fori_loop(0, BPW // 2, outer, 0)

    pltpu.sync_copy(out_v, out_hbm.at[pl.ds(base, BPW)])


def _swem_sc(idx, table):
    mesh = plsc.VectorSubcoreMesh(
        core_axis_name="c",
        subcore_axis_name="s",
        num_cores=NUM_CORES,
        num_subcores=NUM_SUBCORES,
    )
    k = pl.kernel(
        _swem_body,
        out_type=jax.ShapeDtypeStruct((BATCH, DIM), jnp.float32),
        mesh=mesh,
        scratch_types=[
            pltpu.VMEM((BPW, NCHUNK, CHUNK), jnp.int32),
            pltpu.VMEM((ROWS, DIM), jnp.float32),
            pltpu.VMEM((ROWS, DIM), jnp.float32),
            pltpu.VMEM((BPW, DIM), jnp.float32),
            pltpu.SemaphoreType.DMA,
            pltpu.SemaphoreType.DMA,
        ],
        compiler_params=pltpu.CompilerParams(use_tc_tiling_on_sc=False),
    )
    return k(idx, table)


@jax.jit
def _swem(input, table):
    packed = _to_row_major(table.T)
    table_sc = packed.reshape(SC_ROWS, DIM)
    idx3 = jnp.pad(input, ((0, 0), (0, NCHUNK * CHUNK - SEQ))).reshape(
        BATCH, NCHUNK, CHUNK
    )
    return _swem_sc(idx3, table_sc)


def kernel(input, table):
    return _swem(input, table)

# --- scband reference (transcript-rebuilt; emitter-appended) ---
"""Pipeline reference for scband-swem-50173807952497 (READ-ONLY COPY).

The authoritative reference and input builder live on the scoring server;
editing this copy changes nothing except your own understanding.
"""

import jax, jax.numpy as jnp
import numpy as np

VOCAB = 1000000
EMBED_DIM = 64
BATCH = 4096
SEQ = 200


def setup_inputs(seed: int = 0) -> dict:
    key = jax.random.key(seed)
    k_idx, k_tab = jax.random.split(key)
    indices = jax.random.randint(k_idx, (BATCH, SEQ), 0, VOCAB, dtype=jnp.int64 if jax.config.jax_enable_x64 else jnp.int32).astype(jnp.int32)
    table = jax.random.normal(k_tab, (VOCAB, EMBED_DIM), dtype=jnp.float32) * 0.02
    return {"input": indices, "table": table}


def reference(input, table):
    # Swem with pre_pooling_dims=None, post_pooling_dims=None:
    #   embedding lookup -> Identity -> mean pooling over seq dim -> Identity
    emb = jnp.take(table, input, axis=0)          # (B, S, D) gather
    pooled = jnp.mean(emb, axis=1)                # (B, D) mean pooling layer
    return pooled

if __name__ == "__main__":
    import jax
    _d = setup_inputs()
    print(jax.jit(kernel)(*tuple(_d.values())))

</pallas_src>

<mosaic_0001>
#map = affine_map<(d0, d1) -> (0, 0, 0)>
#map1 = affine_map<(d0, d1) -> (0, 0)>
module attributes {stable_mosaic.version = 14 : i64} {
  func.func @_swem_body(%arg0: i32, %arg1: i32, %arg2: memref<4096x3x96xi32, #tpu.memory_space<hbm>>, %arg3: memref<1015808x64xf32, #tpu.memory_space<hbm>>, %arg4: memref<4096x64xf32, #tpu.memory_space<hbm>>, %arg5: memref<128x3x96xi32, #tpu.memory_space<vmem>>, %arg6: memref<200x64xf32, #tpu.memory_space<vmem>>, %arg7: memref<200x64xf32, #tpu.memory_space<vmem>>, %arg8: memref<128x64xf32, #tpu.memory_space<vmem>>, %arg9: memref<!tpu.dma_semaphore, #tpu.memory_space<semaphore_mem>>, %arg10: memref<!tpu.dma_semaphore, #tpu.memory_space<semaphore_mem>>) attributes {dimension_semantics = [#tpu.dimension_semantics<core_parallel>, #tpu.dimension_semantics<subcore_parallel>], iteration_bounds = array<i64: 2, 16>, scalar_prefetch = 0 : i64, scratch_operands = 6 : i64, tpu.core_type = #tpu.core_type<sc_vector_subcore>, window_params = [{transform_indices = #map}, {transform_indices = #map1}, {transform_indices = #map1}]} {
    %mul3A = arith.constant 2 : i32
    %mul3A_0 = arith.muli %arg1, %mul3A : i32
    %add3A = arith.addi %mul3A_0, %arg0 : i32
    %mul3A_1 = arith.constant 128 : i32
    %mul3A_2 = arith.muli %add3A, %mul3A_1 : i32
    "tpu.region"() ({
      %run_scoped3A = tpu.sem_alloc : memref<!tpu.dma_semaphore, #tpu.memory_space<semaphore_mem>>
      %dma_start3A_48 = arith.constant 0 : i32
      %dma_start3A_49 = arith.constant 0 : i32
      %dma_start3A_50 = tpu.memref_slice %arg2[%mul3A_2, %dma_start3A_48, %dma_start3A_49] : memref<4096x3x96xi32, #tpu.memory_space<hbm>> -> memref<128x3x96xi32, #tpu.memory_space<hbm>>
      %dma_start3A_51 = arith.constant 0 : i32
      %dma_start3A_52 = arith.constant 0 : i32
      %dma_start3A_53 = tpu.memref_slice %arg2[%mul3A_2, %dma_start3A_51, %dma_start3A_52] : memref<4096x3x96xi32, #tpu.memory_space<hbm>> -> memref<128x3x96xi32, #tpu.memory_space<hbm>>
      tpu.enqueue_dma source(%dma_start3A_53 : memref<128x3x96xi32, #tpu.memory_space<hbm>>) target(%arg5 : memref<128x3x96xi32, #tpu.memory_space<vmem>>) target_semaphore(%run_scoped3A : memref<!tpu.dma_semaphore, #tpu.memory_space<semaphore_mem>>)
      %dma_wait3A = arith.constant 0 : i32
      %dma_wait3A_54 = arith.constant 0 : i32
      %dma_wait3A_55 = tpu.memref_slice %arg2[%mul3A_2, %dma_wait3A, %dma_wait3A_54] : memref<4096x3x96xi32, #tpu.memory_space<hbm>> -> memref<128x3x96xi32, #tpu.memory_space<hbm>>
      %dma_wait3A_56 = arith.constant 0 : i32
      %dma_wait3A_57 = arith.constant 0 : i32
      %dma_wait3A_58 = tpu.memref_slice %arg2[%mul3A_2, %dma_wait3A_56, %dma_wait3A_57] : memref<4096x3x96xi32, #tpu.memory_space<hbm>> -> memref<128x3x96xi32, #tpu.memory_space<hbm>>
      tpu.wait_dma2 semaphore(%run_scoped3A : memref<!tpu.dma_semaphore, #tpu.memory_space<semaphore_mem>>) src(%dma_wait3A_58 : memref<128x3x96xi32, #tpu.memory_space<hbm>>) dst(%arg5 : memref<128x3x96xi32, #tpu.memory_space<vmem>>)
      tpu.yield
    }) : () -> ()
    %scan3A = arith.constant 0 : i32
    %scan3A_3 = arith.constant 0 : i32
    %scan3A_4 = arith.constant 128 : i32
    %scan3A_5 = arith.addi %scan3A_3, %scan3A_4 : i32
    %scan3A_6 = arith.constant 1 : i32
    %scan3A_7 = scf.for %scan3A_48 = %scan3A_3 to %scan3A_5 step %scan3A_6 iter_args(%scan3A_49 = %scan3A) -> (i32)  : i32 {
      %get3A = arith.constant 0 : i32
      %get3A_50 = arith.index_cast %scan3A_48 : i32 to index
      %get3A_51 = arith.index_cast %get3A : i32 to index
      %get3A_52 = arith.constant 0 : index
      %get3A_53 = tpu.vector_load %arg5[%get3A_50, %get3A_51, %get3A_52] {strides = array<i32>} : memref<128x3x96xi32, #tpu.memory_space<vmem>>, vector<1x1x16xi32>,
      %get3A_54 = vector.shape_cast %get3A_53 : vector<1x1x16xi32> to vector<16xi32>
      %and3A = arith.constant 32767 : i32
      %and3A_55 = vector.broadcast %and3A : i32 to vector<16xi32>
      %and3A_56 = arith.andi %get3A_54, %and3A_55 : vector<16xi32>
      %ge3A = arith.constant 16384 : i32
      %ge3A_57 = vector.broadcast %ge3A : i32 to vector<16xi32>
      %ge3A_58 = arith.cmpi sge, %and3A_56, %ge3A_57 : vector<16xi32>
      %jit3A = arith.constant 32767 : i32
      %jit3A_59 = arith.constant 0 : i32
      %broadcast_in_dim3A = vector.broadcast %jit3A : i32 to vector<16xi32>
      %broadcast_in_dim3A_60 = vector.broadcast %jit3A_59 : i32 to vector<16xi32>
      %select_n3A = arith.select %ge3A_58, %broadcast_in_dim3A, %broadcast_in_dim3A_60 : vector<16xi1>, vector<16xi32>
      %add3A_61 = arith.addi %get3A_54, %and3A_56 : vector<16xi32>
      %sub3A = arith.subi %add3A_61, %select_n3A : vector<16xi32>
      %swap3A = arith.constant 0 : i32
      %swap3A_62 = arith.index_cast %scan3A_48 : i32 to index
      %swap3A_63 = arith.index_cast %swap3A : i32 to index
      %swap3A_64 = arith.constant 0 : index
      %swap3A_65 = tpu.vector_load %arg5[%swap3A_62, %swap3A_63, %swap3A_64] {strides = array<i32>} : memref<128x3x96xi32, #tpu.memory_space<vmem>>, vector<1x1x16xi32>,
      %swap3A_66 = vector.shape_cast %swap3A_65 : vector<1x1x16xi32> to vector<16xi32>
      %swap3A_67 = vector.shape_cast %sub3A : vector<16xi32> to vector<1x1x16xi32>
      tpu.vector_store %arg5[%swap3A_62, %swap3A_63, %swap3A_64], %swap3A_67 {strides = array<i32>} : memref<128x3x96xi32, #tpu.memory_space<vmem>>, vector<1x1x16xi32>,
      %get3A_68 = arith.constant 0 : i32
      %get3A_69 = arith.index_cast %scan3A_48 : i32 to index
      %get3A_70 = arith.index_cast %get3A_68 : i32 to index
      %get3A_71 = arith.constant 16 : index
      %get3A_72 = tpu.vector_load %arg5[%get3A_69, %get3A_70, %get3A_71] {strides = array<i32>} : memref<128x3x96xi32, #tpu.memory_space<vmem>>, vector<1x1x16xi32>,
      %get3A_73 = vector.shape_cast %get3A_72 : vector<1x1x16xi32> to vector<16xi32>
      %and3A_74 = arith.constant 32767 : i32
      %and3A_75 = vector.broadcast %and3A_74 : i32 to vector<16xi32>
      %and3A_76 = arith.andi %get3A_73, %and3A_75 : vector<16xi32>
      %ge3A_77 = arith.constant 16384 : i32
      %ge3A_78 = vector.broadcast %ge3A_77 : i32 to vector<16xi32>
      %ge3A_79 = arith.cmpi sge, %and3A_76, %ge3A_78 : vector<16xi32>
      %jit3A_80 = arith.constant 32767 : i32
      %jit3A_81 = arith.constant 0 : i32
      %broadcast_in_dim3A_82 = vector.broadcast %jit3A_80 : i32 to vector<16xi32>
      %broadcast_in_dim3A_83 = vector.broadcast %jit3A_81 : i32 to vector<16xi32>
      %select_n3A_84 = arith.select %ge3A_79, %broadcast_in_dim3A_82, %broadcast_in_dim3A_83 : vector<16xi1>, vector<16xi32>
      %add3A_85 = arith.addi %get3A_73, %and3A_76 : vector<16xi32>
      %sub3A_86 = arith.subi %add3A_85, %select_n3A_84 : vector<16xi32>
      %swap3A_87 = arith.constant 0 : i32
      %swap3A_88 = arith.index_cast %scan3A_48 : i32 to index
      %swap3A_89 = arith.index_cast %swap3A_87 : i32 to index
      %swap3A_90 = arith.constant 16 : index
      %swap3A_91 = tpu.vector_load %arg5[%swap3A_88, %swap3A_89, %swap3A_90] {strides = array<i32>} : memref<128x3x96xi32, #tpu.memory_space<vmem>>, vector<1x1x16xi32>,
      %swap3A_92 = vector.shape_cast %swap3A_91 : vector<1x1x16xi32> to vector<16xi32>
      %swap3A_93 = vector.shape_cast %sub3A_86 : vector<16xi32> to vector<1x1x16xi32>
      tpu.vector_store %arg5[%swap3A_88, %swap3A_89, %swap3A_90], %swap3A_93 {strides = array<i32>} : memref<128x3x96xi32, #tpu.memory_space<vmem>>, vector<1x1x16xi32>,
      %get3A_94 = arith.constant 0 : i32
      %get3A_95 = arith.index_cast %scan3A_48 : i32 to index
      %get3A_96 = arith.index_cast %get3A_94 : i32 to index
      %get3A_97 = arith.constant 32 : index
      %get3A_98 = tpu.vector_load %arg5[%get3A_95, %get3A_96, %get3A_97] {strides = array<i32>} : memref<128x3x96xi32, #tpu.memory_space<vmem>>, vector<1x1x16xi32>,
      %get3A_99 = vector.shape_cast %get3A_98 : vector<1x1x16xi32> to vector<16xi32>
      %and3A_100 = arith.constant 32767 : i32
      %and3A_101 = vector.broadcast %and3A_100 : i32 to vector<16xi32>
      %and3A_102 = arith.andi %get3A_99, %and3A_101 : vector<16xi32>
      %ge3A_103 = arith.constant 16384 : i32
      %ge3A_104 = vector.broadcast %ge3A_103 : i32 to vector<16xi32>
      %ge3A_105 = arith.cmpi sge, %and3A_102, %ge3A_104 : vector<16xi32>
      %jit3A_106 = arith.constant 32767 : i32
      %jit3A_107 = arith.constant 0 : i32
      %broadcast_in_dim3A_108 = vector.broadcast %jit3A_106 : i32 to vector<16xi32>
      %broadcast_in_dim3A_109 = vector.broadcast %jit3A_107 : i32 to vector<16xi32>
      %select_n3A_110 = arith.select %ge3A_105, %broadcast_in_dim3A_108, %broadcast_in_dim3A_109 : vector<16xi1>, vector<16xi32>
      %add3A_111 = arith.addi %get3A_99, %and3A_102 : vector<16xi32>
      %sub3A_112 = arith.subi %add3A_111, %select_n3A_110 : vector<16xi32>
      %swap3A_113 = arith.constant 0 : i32
      %swap3A_114 = arith.index_cast %scan3A_48 : i32 to index
      %swap3A_115 = arith.index_cast %swap3A_113 : i32 to index
      %swap3A_116 = arith.constant 32 : index
      %swap3A_117 = tpu.vector_load %arg5[%swap3A_114, %swap3A_115, %swap3A_116] {strides = array<i32>} : memref<128x3x96xi32, #tpu.memory_space<vmem>>, vector<1x1x16xi32>,
      %swap3A_118 = vector.shape_cast %swap3A_117 : vector<1x1x16xi32> to vector<16xi32>
      %swap3A_119 = vector.shape_cast %sub3A_112 : vector<16xi32> to vector<1x1x16xi32>
      tpu.vector_store %arg5[%swap3A_114, %swap3A_115, %swap3A_116], %swap3A_119 {strides = array<i32>} : memref<128x3x96xi32, #tpu.memory_space<vmem>>, vector<1x1x16xi32>,
      %get3A_120 = arith.constant 0 : i32
      %get3A_121 = arith.index_cast %scan3A_48 : i32 to index
      %get3A_122 = arith.index_cast %get3A_120 : i32 to index
      %get3A_123 = arith.constant 48 : index
      %get3A_124 = tpu.vector_load %arg5[%get3A_121, %get3A_122, %get3A_123] {strides = array<i32>} : memref<128x3x96xi32, #tpu.memory_space<vmem>>, vector<1x1x16xi32>,
      %get3A_125 = vector.shape_cast %get3A_124 : vector<1x1x16xi32> to vector<16xi32>
      %and3A_126 = arith.constant 32767 : i32
      %and3A_127 = vector.broadcast %and3A_126 : i32 to vector<16xi32>
      %and3A_128 = arith.andi %get3A_125, %and3A_127 : vector<16xi32>
      %ge3A_129 = arith.constant 16384 : i32
      %ge3A_130 = vector.broadcast %ge3A_129 : i32 to vector<16xi32>
      %ge3A_131 = arith.cmpi sge, %and3A_128, %ge3A_130 : vector<16xi32>
      %jit3A_132 = arith.constant 32767 : i32
      %jit3A_133 = arith.constant 0 : i32
      %broadcast_in_dim3A_134 = vector.broadcast %jit3A_132 : i32 to vector<16xi32>
      %broadcast_in_dim3A_135 = vector.broadcast %jit3A_133 : i32 to vector<16xi32>
      %select_n3A_136 = arith.select %ge3A_131, %broadcast_in_dim3A_134, %broadcast_in_dim3A_135 : vector<16xi1>, vector<16xi32>
      %add3A_137 = arith.addi %get3A_125, %and3A_128 : vector<16xi32>
      %sub3A_138 = arith.subi %add3A_137, %select_n3A_136 : vector<16xi32>
      %swap3A_139 = arith.constant 0 : i32
      %swap3A_140 = arith.index_cast %scan3A_48 : i32 to index
      %swap3A_141 = arith.index_cast %swap3A_139 : i32 to index
      %swap3A_142 = arith.constant 48 : index
      %swap3A_143 = tpu.vector_load %arg5[%swap3A_140, %swap3A_141, %swap3A_142] {strides = array<i32>} : memref<128x3x96xi32, #tpu.memory_space<vmem>>, vector<1x1x16xi32>,
      %swap3A_144 = vector.shape_cast %swap3A_143 : vector<1x1x16xi32> to vector<16xi32>
      %swap3A_145 = vector.shape_cast %sub3A_138 : vector<16xi32> to vector<1x1x16xi32>
      tpu.vector_store %arg5[%swap3A_140, %swap3A_141, %swap3A_142], %swap3A_145 {strides = array<i32>} : memref<128x3x96xi32, #tpu.memory_space<vmem>>, vector<1x1x16xi32>,
      %get3A_146 = arith.constant 0 : i32
      %get3A_147 = arith.index_cast %scan3A_48 : i32 to index
      %get3A_148 = arith.index_cast %get3A_146 : i32 to index
      %get3A_149 = arith.constant 64 : index
      %get3A_150 = tpu.vector_load %arg5[%get3A_147, %get3A_148, %get3A_149] {strides = array<i32>} : memref<128x3x96xi32, #tpu.memory_space<vmem>>, vector<1x1x16xi32>,
      %get3A_151 = vector.shape_cast %get3A_150 : vector<1x1x16xi32> to vector<16xi32>
      %and3A_152 = arith.constant 32767 : i32
      %and3A_153 = vector.broadcast %and3A_152 : i32 to vector<16xi32>
      %and3A_154 = arith.andi %get3A_151, %and3A_153 : vector<16xi32>
      %ge3A_155 = arith.constant 16384 : i32
      %ge3A_156 = vector.broadcast %ge3A_155 : i32 to vector<16xi32>
      %ge3A_157 = arith.cmpi sge, %and3A_154, %ge3A_156 : vector<16xi32>
      %jit3A_158 = arith.constant 32767 : i32
      %jit3A_159 = arith.constant 0 : i32
      %broadcast_in_dim3A_160 = vector.broadcast %jit3A_158 : i32 to vector<16xi32>
      %broadcast_in_dim3A_161 = vector.broadcast %jit3A_159 : i32 to vector<16xi32>
      %select_n3A_162 = arith.select %ge3A_157, %broadcast_in_dim3A_160, %broadcast_in_dim3A_161 : vector<16xi1>, vector<16xi32>
      %add3A_163 = arith.addi %get3A_151, %and3A_154 : vector<16xi32>
      %sub3A_164 = arith.subi %add3A_163, %select_n3A_162 : vector<16xi32>
      %swap3A_165 = arith.constant 0 : i32
      %swap3A_166 = arith.index_cast %scan3A_48 : i32 to index
      %swap3A_167 = arith.index_cast %swap3A_165 : i32 to index
      %swap3A_168 = arith.constant 64 : index
      %swap3A_169 = tpu.vector_load %arg5[%swap3A_166, %swap3A_167, %swap3A_168] {strides = array<i32>} : memref<128x3x96xi32, #tpu.memory_space<vmem>>, vector<1x1x16xi32>,
      %swap3A_170 = vector.shape_cast %swap3A_169 : vector<1x1x16xi32> to vector<16xi32>
      %swap3A_171 = vector.shape_cast %sub3A_164 : vector<16xi32> to vector<1x1x16xi32>
      tpu.vector_store %arg5[%swap3A_166, %swap3A_167, %swap3A_168], %swap3A_171 {strides = array<i32>} : memref<128x3x96xi32, #tpu.memory_space<vmem>>, vector<1x1x16xi32>,
      %get3A_172 = arith.constant 0 : i32
      %get3A_173 = arith.index_cast %scan3A_48 : i32 to index
      %get3A_174 = arith.index_cast %get3A_172 : i32 to index
      %get3A_175 = arith.constant 80 : index
      %get3A_176 = tpu.vector_load %arg5[%get3A_173, %get3A_174, %get3A_175] {strides = array<i32>} : memref<128x3x96xi32, #tpu.memory_space<vmem>>, vector<1x1x16xi32>,
      %get3A_177 = vector.shape_cast %get3A_176 : vector<1x1x16xi32> to vector<16xi32>
      %and3A_178 = arith.constant 32767 : i32
      %and3A_179 = vector.broadcast %and3A_178 : i32 to vector<16xi32>
      %and3A_180 = arith.andi %get3A_177, %and3A_179 : vector<16xi32>
      %ge3A_181 = arith.constant 16384 : i32
      %ge3A_182 = vector.broadcast %ge3A_181 : i32 to vector<16xi32>
      %ge3A_183 = arith.cmpi sge, %and3A_180, %ge3A_182 : vector<16xi32>
      %jit3A_184 = arith.constant 32767 : i32
      %jit3A_185 = arith.constant 0 : i32
      %broadcast_in_dim3A_186 = vector.broadcast %jit3A_184 : i32 to vector<16xi32>
      %broadcast_in_dim3A_187 = vector.broadcast %jit3A_185 : i32 to vector<16xi32>
      %select_n3A_188 = arith.select %ge3A_183, %broadcast_in_dim3A_186, %broadcast_in_dim3A_187 : vector<16xi1>, vector<16xi32>
      %add3A_189 = arith.addi %get3A_177, %and3A_180 : vector<16xi32>
      %sub3A_190 = arith.subi %add3A_189, %select_n3A_188 : vector<16xi32>
      %swap3A_191 = arith.constant 0 : i32
      %swap3A_192 = arith.index_cast %scan3A_48 : i32 to index
      %swap3A_193 = arith.index_cast %swap3A_191 : i32 to index
      %swap3A_194 = arith.constant 80 : index
      %swap3A_195 = tpu.vector_load %arg5[%swap3A_192, %swap3A_193, %swap3A_194] {strides = array<i32>} : memref<128x3x96xi32, #tpu.memory_space<vmem>>, vector<1x1x16xi32>,
      %swap3A_196 = vector.shape_cast %swap3A_195 : vector<1x1x16xi32> to vector<16xi32>
      %swap3A_197 = vector.shape_cast %sub3A_190 : vector<16xi32> to vector<1x1x16xi32>
      tpu.vector_store %arg5[%swap3A_192, %swap3A_193, %swap3A_194], %swap3A_197 {strides = array<i32>} : memref<128x3x96xi32, #tpu.memory_space<vmem>>, vector<1x1x16xi32>,
      %get3A_198 = arith.constant 1 : i32
      %get3A_199 = arith.index_cast %scan3A_48 : i32 to index
      %get3A_200 = arith.index_cast %get3A_198 : i32 to index
      %get3A_201 = arith.constant 0 : index
      %get3A_202 = tpu.vector_load %arg5[%get3A_199, %get3A_200, %get3A_201] {strides = array<i32>} : memref<128x3x96xi32, #tpu.memory_space<vmem>>, vector<1x1x16xi32>,
      %get3A_203 = vector.shape_cast %get3A_202 : vector<1x1x16xi32> to vector<16xi32>
      %and3A_204 = arith.constant 32767 : i32
      %and3A_205 = vector.broadcast %and3A_204 : i32 to vector<16xi32>
      %and3A_206 = arith.andi %get3A_203, %and3A_205 : vector<16xi32>
      %ge3A_207 = arith.constant 16384 : i32
      %ge3A_208 = vector.broadcast %ge3A_207 : i32 to vector<16xi32>
      %ge3A_209 = arith.cmpi sge, %and3A_206, %ge3A_208 : vector<16xi32>
      %jit3A_210 = arith.constant 32767 : i32
      %jit3A_211 = arith.constant 0 : i32
      %broadcast_in_dim3A_212 = vector.broadcast %jit3A_210 : i32 to vector<16xi32>
      %broadcast_in_dim3A_213 = vector.broadcast %jit3A_211 : i32 to vector<16xi32>
      %select_n3A_214 = arith.select %ge3A_209, %broadcast_in_dim3A_212, %broadcast_in_dim3A_213 : vector<16xi1>, vector<16xi32>
      %add3A_215 = arith.addi %get3A_203, %and3A_206 : vector<16xi32>
      %sub3A_216 = arith.subi %add3A_215, %select_n3A_214 : vector<16xi32>
      %swap3A_217 = arith.constant 1 : i32
      %swap3A_218 = arith.index_cast %scan3A_48 : i32 to index
      %swap3A_219 = arith.index_cast %swap3A_217 : i32 to index
      %swap3A_220 = arith.constant 0 : index
      %swap3A_221 = tpu.vector_load %arg5[%swap3A_218, %swap3A_219, %swap3A_220] {strides = array<i32>} : memref<128x3x96xi32, #tpu.memory_space<vmem>>, vector<1x1x16xi32>,
      %swap3A_222 = vector.shape_cast %swap3A_221 : vector<1x1x16xi32> to vector<16xi32>
      %swap3A_223 = vector.shape_cast %sub3A_216 : vector<16xi32> to vector<1x1x16xi32>
      tpu.vector_store %arg5[%swap3A_218, %swap3A_219, %swap3A_220], %swap3A_223 {strides = array<i32>} : memref<128x3x96xi32, #tpu.memory_space<vmem>>, vector<1x1x16xi32>,
      %get3A_224 = arith.constant 1 : i32
      %get3A_225 = arith.index_cast %scan3A_48 : i32 to index
      %get3A_226 = arith.index_cast %get3A_224 : i32 to index
      %get3A_227 = arith.constant 16 : index
      %get3A_228 = tpu.vector_load %arg5[%get3A_225, %get3A_226, %get3A_227] {strides = array<i32>} : memref<128x3x96xi32, #tpu.memory_space<vmem>>, vector<1x1x16xi32>,
      %get3A_229 = vector.shape_cast %get3A_228 : vector<1x1x16xi32> to vector<16xi32>
      %and3A_230 = arith.constant 32767 : i32
      %and3A_231 = vector.broadcast %and3A_230 : i32 to vector<16xi32>
      %and3A_232 = arith.andi %get3A_229, %and3A_231 : vector<16xi32>
      %ge3A_233 = arith.constant 16384 : i32
      %ge3A_234 = vector.broadcast %ge3A_233 : i32 to vector<16xi32>
      %ge3A_235 = arith.cmpi sge, %and3A_232, %ge3A_234 : vector<16xi32>
      %jit3A_236 = arith.constant 32767 : i32
      %jit3A_237 = arith.constant 0 : i32
      %broadcast_in_dim3A_238 = vector.broadcast %jit3A_236 : i32 to vector<16xi32>
      %broadcast_in_dim3A_239 = vector.broadcast %jit3A_237 : i32 to vector<16xi32>
      %select_n3A_240 = arith.select %ge3A_235, %broadcast_in_dim3A_238, %broadcast_in_dim3A_239 : vector<16xi1>, vector<16xi32>
      %add3A_241 = arith.addi %get3A_229, %and3A_232 : vector<16xi32>
      %sub3A_242 = arith.subi %add3A_241, %select_n3A_240 : vector<16xi32>
      %swap3A_243 = arith.constant 1 : i32
      %swap3A_244 = arith.index_cast %scan3A_48 : i32 to index
      %swap3A_245 = arith.index_cast %swap3A_243 : i32 to index
      %swap3A_246 = arith.constant 16 : index
      %swap3A_247 = tpu.vector_load %arg5[%swap3A_244, %swap3A_245, %swap3A_246] {strides = array<i32>} : memref<128x3x96xi32, #tpu.memory_space<vmem>>, vector<1x1x16xi32>,
      %swap3A_248 = vector.shape_cast %swap3A_247 : vector<1x1x16xi32> to vector<16xi32>
      %swap3A_249 = vector.shape_cast %sub3A_242 : vector<16xi32> to vector<1x1x16xi32>
      tpu.vector_store %arg5[%swap3A_244, %swap3A_245, %swap3A_246], %swap3A_249 {strides = array<i32>} : memref<128x3x96xi32, #tpu.memory_space<vmem>>, vector<1x1x16xi32>,
      %get3A_250 = arith.constant 1 : i32
      %get3A_251 = arith.index_cast %scan3A_48 : i32 to index
      %get3A_252 = arith.index_cast %get3A_250 : i32 to index
      %get3A_253 = arith.constant 32 : index
      %get3A_254 = tpu.vector_load %arg5[%get3A_251, %get3A_252, %get3A_253] {strides = array<i32>} : memref<128x3x96xi32, #tpu.memory_space<vmem>>, vector<1x1x16xi32>,
      %get3A_255 = vector.shape_cast %get3A_254 : vector<1x1x16xi32> to vector<16xi32>
      %and3A_256 = arith.constant 32767 : i32
      %and3A_257 = vector.broadcast %and3A_256 : i32 to vector<16xi32>
      %and3A_258 = arith.andi %get3A_255, %and3A_257 : vector<16xi32>
      %ge3A_259 = arith.constant 16384 : i32
      %ge3A_260 = vector.broadcast %ge3A_259 : i32 to vector<16xi32>
      %ge3A_261 = arith.cmpi sge, %and3A_258, %ge3A_260 : vector<16xi32>
      %jit3A_262 = arith.constant 32767 : i32
      %jit3A_263 = arith.constant 0 : i32
      %broadcast_in_dim3A_264 = vector.broadcast %jit3A_262 : i32 to vector<16xi32>
      %broadcast_in_dim3A_265 = vector.broadcast %jit3A_263 : i32 to vector<16xi32>
      %select_n3A_266 = arith.select %ge3A_261, %broadcast_in_dim3A_264, %broadcast_in_dim3A_265 : vector<16xi1>, vector<16xi32>
      %add3A_267 = arith.addi %get3A_255, %and3A_258 : vector<16xi32>
      %sub3A_268 = arith.subi %add3A_267, %select_n3A_266 : vector<16xi32>
      %swap3A_269 = arith.constant 1 : i32
      %swap3A_270 = arith.index_cast %scan3A_48 : i32 to index
      %swap3A_271 = arith.index_cast %swap3A_269 : i32 to index
      %swap3A_272 = arith.constant 32 : index
      %swap3A_273 = tpu.vector_load %arg5[%swap3A_270, %swap3A_271, %swap3A_272] {strides = array<i32>} : memref<128x3x96xi32, #tpu.memory_space<vmem>>, vector<1x1x16xi32>,
      %swap3A_274 = vector.shape_cast %swap3A_273 : vector<1x1x16xi32> to vector<16xi32>
      %swap3A_275 = vector.shape_cast %sub3A_268 : vector<16xi32> to vector<1x1x16xi32>
      tpu.vector_store %arg5[%swap3A_270, %swap3A_271, %swap3A_272], %swap3A_275 {strides = array<i32>} : memref<128x3x96xi32, #tpu.memory_space<vmem>>, vector<1x1x16xi32>,
      %get3A_276 = arith.constant 1 : i32
      %get3A_277 = arith.index_cast %scan3A_48 : i32 to index
      %get3A_278 = arith.index_cast %get3A_276 : i32 to index
      %get3A_279 = arith.constant 48 : index
      %get3A_280 = tpu.vector_load %arg5[%get3A_277, %get3A_278, %get3A_279] {strides = array<i32>} : memref<128x3x96xi32, #tpu.memory_space<vmem>>, vector<1x1x16xi32>,
      %get3A_281 = vector.shape_cast %get3A_280 : vector<1x1x16xi32> to vector<16xi32>
      %and3A_282 = arith.constant 32767 : i32
      %and3A_283 = vector.broadcast %and3A_282 : i32 to vector<16xi32>
      %and3A_284 = arith.andi %get3A_281, %and3A_283 : vector<16xi32>
      %ge3A_285 = arith.constant 16384 : i32
      %ge3A_286 = vector.broadcast %ge3A_285 : i32 to vector<16xi32>
      %ge3A_287 = arith.cmpi sge, %and3A_284, %ge3A_286 : vector<16xi32>
      %jit3A_288 = arith.constant 32767 : i32
      %jit3A_289 = arith.constant 0 : i32
      %broadcast_in_dim3A_290 = vector.broadcast %jit3A_288 : i32 to vector<16xi32>
      %broadcast_in_dim3A_291 = vector.broadcast %jit3A_289 : i32 to vector<16xi32>
      %select_n3A_292 = arith.select %ge3A_287, %broadcast_in_dim3A_290, %broadcast_in_dim3A_291 : vector<16xi1>, vector<16xi32>
      %add3A_293 = arith.addi %get3A_281, %and3A_284 : vector<16xi32>
      %sub3A_294 = arith.subi %add3A_293, %select_n3A_292 : vector<16xi32>
      %swap3A_295 = arith.constant 1 : i32
      %swap3A_296 = arith.index_cast %scan3A_48 : i32 to index
      %swap3A_297 = arith.index_cast %swap3A_295 : i32 to index
      %swap3A_298 = arith.constant 48 : index
      %swap3A_299 = tpu.vector_load %arg5[%swap3A_296, %swap3A_297, %swap3A_298] {strides = array<i32>} : memref<128x3x96xi32, #tpu.memory_space<vmem>>, vector<1x1x16xi32>,
      %swap3A_300 = vector.shape_cast %swap3A_299 : vector<1x1x16xi32> to vector<16xi32>
      %swap3A_301 = vector.shape_cast %sub3A_294 : vector<16xi32> to vector<1x1x16xi32>
      tpu.vector_store %arg5[%swap3A_296, %swap3A_297, %swap3A_298], %swap3A_301 {strides = array<i32>} : memref<128x3x96xi32, #tpu.memory_space<vmem>>, vector<1x1x16xi32>,
      %get3A_302 = arith.constant 1 : i32
      %get3A_303 = arith.index_cast %scan3A_48 : i32 to index
      %get3A_304 = arith.index_cast %get3A_302 : i32 to index
      %get3A_305 = arith.constant 64 : index
      %get3A_306 = tpu.vector_load %arg5[%get3A_303, %get3A_304, %get3A_305] {strides = array<i32>} : memref<128x3x96xi32, #tpu.memory_space<vmem>>, vector<1x1x16xi32>,
      %get3A_307 = vector.shape_cast %get3A_306 : vector<1x1x16xi32> to vector<16xi32>
      %and3A_308 = arith.constant 32767 : i32
      %and3A_309 = vector.broadcast %and3A_308 : i32 to vector<16xi32>
      %and3A_310 = arith.andi %get3A_307, %and3A_309 : vector<16xi32>
      %ge3A_311 = arith.constant 16384 : i32
      %ge3A_312 = vector.broadcast %ge3A_311 : i32 to vector<16xi32>
      %ge3A_313 = arith.cmpi sge, %and3A_310, %ge3A_312 : vector<16xi32>
      %jit3A_314 = arith.constant 32767 : i32
      %jit3A_315 = arith.constant 0 : i32
      %broadcast_in_dim3A_316 = vector.broadcast %jit3A_314 : i32 to vector<16xi32>
      %broadcast_in_dim3A_317 = vector.broadcast %jit3A_315 : i32 to vector<16xi32>
      %select_n3A_318 = arith.select %ge3A_313, %broadcast_in_dim3A_316, %broadcast_in_dim3A_317 : vector<16xi1>, vector<16xi32>
      %add3A_319 = arith.addi %get3A_307, %and3A_310 : vector<16xi32>
      %sub3A_320 = arith.subi %add3A_319, %select_n3A_318 : vector<16xi32>
      %swap3A_321 = arith.constant 1 : i32
      %swap3A_322 = arith.index_cast %scan3A_48 : i32 to index
      %swap3A_323 = arith.index_cast %swap3A_321 : i32 to index
      %swap3A_324 = arith.constant 64 : index
      %swap3A_325 = tpu.vector_load %arg5[%swap3A_322, %swap3A_323, %swap3A_324] {strides = array<i32>} : memref<128x3x96xi32, #tpu.memory_space<vmem>>, vector<1x1x16xi32>,
      %swap3A_326 = vector.shape_cast %swap3A_325 : vector<1x1x16xi32> to vector<16xi32>
      %swap3A_327 = vector.shape_cast %sub3A_320 : vector<16xi32> to vector<1x1x16xi32>
      tpu.vector_store %arg5[%swap3A_322, %swap3A_323, %swap3A_324], %swap3A_327 {strides = array<i32>} : memref<128x3x96xi32, #tpu.memory_space<vmem>>, vector<1x1x16xi32>,
      %get3A_328 = arith.constant 1 : i32
      %get3A_329 = arith.index_cast %scan3A_48 : i32 to index
      %get3A_330 = arith.index_cast %get3A_328 : i32 to index
      %get3A_331 = arith.constant 80 : index
      %get3A_332 = tpu.vector_load %arg5[%get3A_329, %get3A_330, %get3A_331] {strides = array<i32>} : memref<128x3x96xi32, #tpu.memory_space<vmem>>, vector<1x1x16xi32>,
      %get3A_333 = vector.shape_cast %get3A_332 : vector<1x1x16xi32> to vector<16xi32>
      %and3A_334 = arith.constant 32767 : i32
      %and3A_335 = vector.broadcast %and3A_334 : i32 to vector<16xi32>
      %and3A_336 = arith.andi %get3A_333, %and3A_335 : vector<16xi32>
      %ge3A_337 = arith.constant 16384 : i32
      %ge3A_338 = vector.broadcast %ge3A_337 : i32 to vector<16xi32>
      %ge3A_339 = arith.cmpi sge, %and3A_336, %ge3A_338 : vector<16xi32>
      %jit3A_340 = arith.constant 32767 : i32
      %jit3A_341 = arith.constant 0 : i32
      %broadcast_in_dim3A_342 = vector.broadcast %jit3A_340 : i32 to vector<16xi32>
      %broadcast_in_dim3A_343 = vector.broadcast %jit3A_341 : i32 to vector<16xi32>
      %select_n3A_344 = arith.select %ge3A_339, %broadcast_in_dim3A_342, %broadcast_in_dim3A_343 : vector<16xi1>, vector<16xi32>
      %add3A_345 = arith.addi %get3A_333, %and3A_336 : vector<16xi32>
      %sub3A_346 = arith.subi %add3A_345, %select_n3A_344 : vector<16xi32>
      %swap3A_347 = arith.constant 1 : i32
      %swap3A_348 = arith.index_cast %scan3A_48 : i32 to index
      %swap3A_349 = arith.index_cast %swap3A_347 : i32 to index
      %swap3A_350 = arith.constant 80 : index
      %swap3A_351 = tpu.vector_load %arg5[%swap3A_348, %swap3A_349, %swap3A_350] {strides = array<i32>} : memref<128x3x96xi32, #tpu.memory_space<vmem>>, vector<1x1x16xi32>,
      %swap3A_352 = vector.shape_cast %swap3A_351 : vector<1x1x16xi32> to vector<16xi32>
      %swap3A_353 = vector.shape_cast %sub3A_346 : vector<16xi32> to vector<1x1x16xi32>
      tpu.vector_store %arg5[%swap3A_348, %swap3A_349, %swap3A_350], %swap3A_353 {strides = array<i32>} : memref<128x3x96xi32, #tpu.memory_space<vmem>>, vector<1x1x16xi32>,
      %get3A_354 = arith.constant 2 : i32
      %get3A_355 = arith.index_cast %scan3A_48 : i32 to index
      %get3A_356 = arith.index_cast %get3A_354 : i32 to index
      %get3A_357 = arith.constant 0 : index
      %get3A_358 = tpu.vector_load %arg5[%get3A_355, %get3A_356, %get3A_357] {strides = array<i32>} : memref<128x3x96xi32, #tpu.memory_space<vmem>>, vector<1x1x16xi32>,
      %get3A_359 = vector.shape_cast %get3A_358 : vector<1x1x16xi32> to vector<16xi32>
      %and3A_360 = arith.constant 32767 : i32
      %and3A_361 = vector.broadcast %and3A_360 : i32 to vector<16xi32>
      %and3A_362 = arith.andi %get3A_359, %and3A_361 : vector<16xi32>
      %ge3A_363 = arith.constant 16384 : i32
      %ge3A_364 = vector.broadcast %ge3A_363 : i32 to vector<16xi32>
      %ge3A_365 = arith.cmpi sge, %and3A_362, %ge3A_364 : vector<16xi32>
      %jit3A_366 = arith.constant 32767 : i32
      %jit3A_367 = arith.constant 0 : i32
      %broadcast_in_dim3A_368 = vector.broadcast %jit3A_366 : i32 to vector<16xi32>
      %broadcast_in_dim3A_369 = vector.broadcast %jit3A_367 : i32 to vector<16xi32>
      %select_n3A_370 = arith.select %ge3A_365, %broadcast_in_dim3A_368, %broadcast_in_dim3A_369 : vector<16xi1>, vector<16xi32>
      %add3A_371 = arith.addi %get3A_359, %and3A_362 : vector<16xi32>
      %sub3A_372 = arith.subi %add3A_371, %select_n3A_370 : vector<16xi32>
      %swap3A_373 = arith.constant 2 : i32
      %swap3A_374 = arith.index_cast %scan3A_48 : i32 to index
      %swap3A_375 = arith.index_cast %swap3A_373 : i32 to index
      %swap3A_376 = arith.constant 0 : index
      %swap3A_377 = tpu.vector_load %arg5[%swap3A_374, %swap3A_375, %swap3A_376] {strides = array<i32>} : memref<128x3x96xi32, #tpu.memory_space<vmem>>, vector<1x1x16xi32>,
      %swap3A_378 = vector.shape_cast %swap3A_377 : vector<1x1x16xi32> to vector<16xi32>
      %swap3A_379 = vector.shape_cast %sub3A_372 : vector<16xi32> to vector<1x1x16xi32>
      tpu.vector_store %arg5[%swap3A_374, %swap3A_375, %swap3A_376], %swap3A_379 {strides = array<i32>} : memref<128x3x96xi32, #tpu.memory_space<vmem>>, vector<1x1x16xi32>,
      %get3A_380 = arith.constant 2 : i32
      %get3A_381 = arith.index_cast %scan3A_48 : i32 to index
      %get3A_382 = arith.index_cast %get3A_380 : i32 to index
      %get3A_383 = arith.constant 16 : index
      %get3A_384 = tpu.vector_load %arg5[%get3A_381, %get3A_382, %get3A_383] {strides = array<i32>} : memref<128x3x96xi32, #tpu.memory_space<vmem>>, vector<1x1x16xi32>,
      %get3A_385 = vector.shape_cast %get3A_384 : vector<1x1x16xi32> to vector<16xi32>
      %and3A_386 = arith.constant 32767 : i32
      %and3A_387 = vector.broadcast %and3A_386 : i32 to vector<16xi32>
      %and3A_388 = arith.andi %get3A_385, %and3A_387 : vector<16xi32>
      %ge3A_389 = arith.constant 16384 : i32
      %ge3A_390 = vector.broadcast %ge3A_389 : i32 to vector<16xi32>
      %ge3A_391 = arith.cmpi sge, %and3A_388, %ge3A_390 : vector<16xi32>
      %jit3A_392 = arith.constant 32767 : i32
      %jit3A_393 = arith.constant 0 : i32
      %broadcast_in_dim3A_394 = vector.broadcast %jit3A_392 : i32 to vector<16xi32>
      %broadcast_in_dim3A_395 = vector.broadcast %jit3A_393 : i32 to vector<16xi32>
      %select_n3A_396 = arith.select %ge3A_391, %broadcast_in_dim3A_394, %broadcast_in_dim3A_395 : vector<16xi1>, vector<16xi32>
      %add3A_397 = arith.addi %get3A_385, %and3A_388 : vector<16xi32>
      %sub3A_398 = arith.subi %add3A_397, %select_n3A_396 : vector<16xi32>
      %swap3A_399 = arith.constant 2 : i32
      %swap3A_400 = arith.index_cast %scan3A_48 : i32 to index
      %swap3A_401 = arith.index_cast %swap3A_399 : i32 to index
      %swap3A_402 = arith.constant 16 : index
      %swap3A_403 = tpu.vector_load %arg5[%swap3A_400, %swap3A_401, %swap3A_402] {strides = array<i32>} : memref<128x3x96xi32, #tpu.memory_space<vmem>>, vector<1x1x16xi32>,
      %swap3A_404 = vector.shape_cast %swap3A_403 : vector<1x1x16xi32> to vector<16xi32>
      %swap3A_405 = vector.shape_cast %sub3A_398 : vector<16xi32> to vector<1x1x16xi32>
      tpu.vector_store %arg5[%swap3A_400, %swap3A_401, %swap3A_402], %swap3A_405 {strides = array<i32>} : memref<128x3x96xi32, #tpu.memory_space<vmem>>, vector<1x1x16xi32>,
      %get3A_406 = arith.constant 2 : i32
      %get3A_407 = arith.index_cast %scan3A_48 : i32 to index
      %get3A_408 = arith.index_cast %get3A_406 : i32 to index
      %get3A_409 = arith.constant 32 : index
      %get3A_410 = tpu.vector_load %arg5[%get3A_407, %get3A_408, %get3A_409] {strides = array<i32>} : memref<128x3x96xi32, #tpu.memory_space<vmem>>, vector<1x1x16xi32>,
      %get3A_411 = vector.shape_cast %get3A_410 : vector<1x1x16xi32> to vector<16xi32>
      %and3A_412 = arith.constant 32767 : i32
      %and3A_413 = vector.broadcast %and3A_412 : i32 to vector<16xi32>
      %and3A_414 = arith.andi %get3A_411, %and3A_413 : vector<16xi32>
      %ge3A_415 = arith.constant 16384 : i32
      %ge3A_416 = vector.broadcast %ge3A_415 : i32 to vector<16xi32>
      %ge3A_417 = arith.cmpi sge, %and3A_414, %ge3A_416 : vector<16xi32>
      %jit3A_418 = arith.constant 32767 : i32
      %jit3A_419 = arith.constant 0 : i32
      %broadcast_in_dim3A_420 = vector.broadcast %jit3A_418 : i32 to vector<16xi32>
      %broadcast_in_dim3A_421 = vector.broadcast %jit3A_419 : i32 to vector<16xi32>
      %select_n3A_422 = arith.select %ge3A_417, %broadcast_in_dim3A_420, %broadcast_in_dim3A_421 : vector<16xi1>, vector<16xi32>
      %add3A_423 = arith.addi %get3A_411, %and3A_414 : vector<16xi32>
      %sub3A_424 = arith.subi %add3A_423, %select_n3A_422 : vector<16xi32>
      %swap3A_425 = arith.constant 2 : i32
      %swap3A_426 = arith.index_cast %scan3A_48 : i32 to index
      %swap3A_427 = arith.index_cast %swap3A_425 : i32 to index
      %swap3A_428 = arith.constant 32 : index
      %swap3A_429 = tpu.vector_load %arg5[%swap3A_426, %swap3A_427, %swap3A_428] {strides = array<i32>} : memref<128x3x96xi32, #tpu.memory_space<vmem>>, vector<1x1x16xi32>,
      %swap3A_430 = vector.shape_cast %swap3A_429 : vector<1x1x16xi32> to vector<16xi32>
      %swap3A_431 = vector.shape_cast %sub3A_424 : vector<16xi32> to vector<1x1x16xi32>
      tpu.vector_store %arg5[%swap3A_426, %swap3A_427, %swap3A_428], %swap3A_431 {strides = array<i32>} : memref<128x3x96xi32, #tpu.memory_space<vmem>>, vector<1x1x16xi32>,
      %get3A_432 = arith.constant 2 : i32
      %get3A_433 = arith.index_cast %scan3A_48 : i32 to index
      %get3A_434 = arith.index_cast %get3A_432 : i32 to index
      %get3A_435 = arith.constant 48 : index
      %get3A_436 = tpu.vector_load %arg5[%get3A_433, %get3A_434, %get3A_435] {strides = array<i32>} : memref<128x3x96xi32, #tpu.memory_space<vmem>>, vector<1x1x16xi32>,
      %get3A_437 = vector.shape_cast %get3A_436 : vector<1x1x16xi32> to vector<16xi32>
      %and3A_438 = arith.constant 32767 : i32
      %and3A_439 = vector.broadcast %and3A_438 : i32 to vector<16xi32>
      %and3A_440 = arith.andi %get3A_437, %and3A_439 : vector<16xi32>
      %ge3A_441 = arith.constant 16384 : i32
      %ge3A_442 = vector.broadcast %ge3A_441 : i32 to vector<16xi32>
      %ge3A_443 = arith.cmpi sge, %and3A_440, %ge3A_442 : vector<16xi32>
      %jit3A_444 = arith.constant 32767 : i32
      %jit3A_445 = arith.constant 0 : i32
      %broadcast_in_dim3A_446 = vector.broadcast %jit3A_444 : i32 to vector<16xi32>
      %broadcast_in_dim3A_447 = vector.broadcast %jit3A_445 : i32 to vector<16xi32>
      %select_n3A_448 = arith.select %ge3A_443, %broadcast_in_dim3A_446, %broadcast_in_dim3A_447 : vector<16xi1>, vector<16xi32>
      %add3A_449 = arith.addi %get3A_437, %and3A_440 : vector<16xi32>
      %sub3A_450 = arith.subi %add3A_449, %select_n3A_448 : vector<16xi32>
      %swap3A_451 = arith.constant 2 : i32
      %swap3A_452 = arith.index_cast %scan3A_48 : i32 to index
      %swap3A_453 = arith.index_cast %swap3A_451 : i32 to index
      %swap3A_454 = arith.constant 48 : index
      %swap3A_455 = tpu.vector_load %arg5[%swap3A_452, %swap3A_453, %swap3A_454] {strides = array<i32>} : memref<128x3x96xi32, #tpu.memory_space<vmem>>, vector<1x1x16xi32>,
      %swap3A_456 = vector.shape_cast %swap3A_455 : vector<1x1x16xi32> to vector<16xi32>
      %swap3A_457 = vector.shape_cast %sub3A_450 : vector<16xi32> to vector<1x1x16xi32>
      tpu.vector_store %arg5[%swap3A_452, %swap3A_453, %swap3A_454], %swap3A_457 {strides = array<i32>} : memref<128x3x96xi32, #tpu.memory_space<vmem>>, vector<1x1x16xi32>,
      %get3A_458 = arith.constant 2 : i32
      %get3A_459 = arith.index_cast %scan3A_48 : i32 to index
      %get3A_460 = arith.index_cast %get3A_458 : i32 to index
      %get3A_461 = arith.constant 64 : index
      %get3A_462 = tpu.vector_load %arg5[%get3A_459, %get3A_460, %get3A_461] {strides = array<i32>} : memref<128x3x96xi32, #tpu.memory_space<vmem>>, vector<1x1x16xi32>,
      %get3A_463 = vector.shape_cast %get3A_462 : vector<1x1x16xi32> to vector<16xi32>
      %and3A_464 = arith.constant 32767 : i32
      %and3A_465 = vector.broadcast %and3A_464 : i32 to vector<16xi32>
      %and3A_466 = arith.andi %get3A_463, %and3A_465 : vector<16xi32>
      %ge3A_467 = arith.constant 16384 : i32
      %ge3A_468 = vector.broadcast %ge3A_467 : i32 to vector<16xi32>
      %ge3A_469 = arith.cmpi sge, %and3A_466, %ge3A_468 : vector<16xi32>
      %jit3A_470 = arith.constant 32767 : i32
      %jit3A_471 = arith.constant 0 : i32
      %broadcast_in_dim3A_472 = vector.broadcast %jit3A_470 : i32 to vector<16xi32>
      %broadcast_in_dim3A_473 = vector.broadcast %jit3A_471 : i32 to vector<16xi32>
      %select_n3A_474 = arith.select %ge3A_469, %broadcast_in_dim3A_472, %broadcast_in_dim3A_473 : vector<16xi1>, vector<16xi32>
      %add3A_475 = arith.addi %get3A_463, %and3A_466 : vector<16xi32>
      %sub3A_476 = arith.subi %add3A_475, %select_n3A_474 : vector<16xi32>
      %swap3A_477 = arith.constant 2 : i32
      %swap3A_478 = arith.index_cast %scan3A_48 : i32 to index
      %swap3A_479 = arith.index_cast %swap3A_477 : i32 to index
      %swap3A_480 = arith.constant 64 : index
      %swap3A_481 = tpu.vector_load %arg5[%swap3A_478, %swap3A_479, %swap3A_480] {strides = array<i32>} : memref<128x3x96xi32, #tpu.memory_space<vmem>>, vector<1x1x16xi32>,
      %swap3A_482 = vector.shape_cast %swap3A_481 : vector<1x1x16xi32> to vector<16xi32>
      %swap3A_483 = vector.shape_cast %sub3A_476 : vector<16xi32> to vector<1x1x16xi32>
      tpu.vector_store %arg5[%swap3A_478, %swap3A_479, %swap3A_480], %swap3A_483 {strides = array<i32>} : memref<128x3x96xi32, #tpu.memory_space<vmem>>, vector<1x1x16xi32>,
      %get3A_484 = arith.constant 2 : i32
      %get3A_485 = arith.index_cast %scan3A_48 : i32 to index
      %get3A_486 = arith.index_cast %get3A_484 : i32 to index
      %get3A_487 = arith.constant 80 : index
      %get3A_488 = tpu.vector_load %arg5[%get3A_485, %get3A_486, %get3A_487] {strides = array<i32>} : memref<128x3x96xi32, #tpu.memory_space<vmem>>, vector<1x1x16xi32>,
      %get3A_489 = vector.shape_cast %get3A_488 : vector<1x1x16xi32> to vector<16xi32>
      %and3A_490 = arith.constant 32767 : i32
      %and3A_491 = vector.broadcast %and3A_490 : i32 to vector<16xi32>
      %and3A_492 = arith.andi %get3A_489, %and3A_491 : vector<16xi32>
      %ge3A_493 = arith.constant 16384 : i32
      %ge3A_494 = vector.broadcast %ge3A_493 : i32 to vector<16xi32>
      %ge3A_495 = arith.cmpi sge, %and3A_492, %ge3A_494 : vector<16xi32>
      %jit3A_496 = arith.constant 32767 : i32
      %jit3A_497 = arith.constant 0 : i32
      %broadcast_in_dim3A_498 = vector.broadcast %jit3A_496 : i32 to vector<16xi32>
      %broadcast_in_dim3A_499 = vector.broadcast %jit3A_497 : i32 to vector<16xi32>
      %select_n3A_500 = arith.select %ge3A_495, %broadcast_in_dim3A_498, %broadcast_in_dim3A_499 : vector<16xi1>, vector<16xi32>
      %add3A_501 = arith.addi %get3A_489, %and3A_492 : vector<16xi32>
      %sub3A_502 = arith.subi %add3A_501, %select_n3A_500 : vector<16xi32>
      %swap3A_503 = arith.constant 2 : i32
      %swap3A_504 = arith.index_cast %scan3A_48 : i32 to index
      %swap3A_505 = arith.index_cast %swap3A_503 : i32 to index
      %swap3A_506 = arith.constant 80 : index
      %swap3A_507 = tpu.vector_load %arg5[%swap3A_504, %swap3A_505, %swap3A_506] {strides = array<i32>} : memref<128x3x96xi32, #tpu.memory_space<vmem>>, vector<1x1x16xi32>,
      %swap3A_508 = vector.shape_cast %swap3A_507 : vector<1x1x16xi32> to vector<16xi32>
      %swap3A_509 = vector.shape_cast %sub3A_502 : vector<16xi32> to vector<1x1x16xi32>
      tpu.vector_store %arg5[%swap3A_504, %swap3A_505, %swap3A_506], %swap3A_509 {strides = array<i32>} : memref<128x3x96xi32, #tpu.memory_space<vmem>>, vector<1x1x16xi32>,
      %scan3A_510 = arith.constant 0 : i32
      scf.yield %scan3A_510 : i32
    }
    %scan3A_8 = arith.constant 128 : i32
    %dma_start3A = arith.constant 0 : i32
    %dma_start3A_9 = arith.constant 0 : i32
    %dma_start3A_10 = arith.constant 0 : i32
    %dma_start3A_11 = arith.constant 0 : i32
    %dma_start3A_12 = tpu.memref_slice %arg6[%dma_start3A_10, %dma_start3A_11] : memref<200x64xf32, #tpu.memory_space<vmem>> -> memref<96x64xf32, #tpu.memory_space<vmem>>
    %dma_start3A_13 = arith.constant 0 : i32
    %dma_start3A_14 = tpu.memref_slice %arg5[%dma_start3A, %dma_start3A_9, %dma_start3A_13] : memref<128x3x96xi32, #tpu.memory_space<vmem>> -> memref<1x1x96xi32, #tpu.memory_space<vmem>>
    %dma_start3A_15 = tpu.memref_squeeze %dma_start3A_14 : memref<1x1x96xi32, #tpu.memory_space<vmem>> -> memref<96xi32, #tpu.memory_space<vmem>>
    %dma_start3A_16 = arith.constant 0 : i32
    %dma_start3A_17 = arith.constant 0 : i32
    %dma_start3A_18 = tpu.memref_slice %arg3[%dma_start3A_16, %dma_start3A_17] : memref<1015808x64xf32, #tpu.memory_space<hbm>> -> memref<1015808x64xf32, #tpu.memory_space<hbm>>
    tpu.enqueue_indirect_dma source(%dma_start3A_18 : memref<1015808x64xf32, #tpu.memory_space<hbm>>) target(%dma_start3A_12 : memref<96x64xf32, #tpu.memory_space<vmem>>) offsets(%dma_start3A_15 : memref<96xi32, #tpu.memory_space<vmem>>) semaphore(%arg9 : memref<!tpu.dma_semaphore, #tpu.memory_space<semaphore_mem>>)
    %dma_start3A_19 = arith.constant 0 : i32
    %dma_start3A_20 = arith.constant 1 : i32
    %dma_start3A_21 = arith.constant 96 : i32
    %dma_start3A_22 = arith.constant 0 : i32
    %dma_start3A_23 = tpu.memref_slice %arg6[%dma_start3A_21, %dma_start3A_22] : memref<200x64xf32, #tpu.memory_space<vmem>> -> memref<96x64xf32, #tpu.memory_space<vmem>>
    %dma_start3A_24 = arith.constant 0 : i32
    %dma_start3A_25 = tpu.memref_slice %arg5[%dma_start3A_19, %dma_start3A_20, %dma_start3A_24] : memref<128x3x96xi32, #tpu.memory_space<vmem>> -> memref<1x1x96xi32, #tpu.memory_space<vmem>>
    %dma_start3A_26 = tpu.memref_squeeze %dma_start3A_25 : memref<1x1x96xi32, #tpu.memory_space<vmem>> -> memref<96xi32, #tpu.memory_space<vmem>>
    %dma_start3A_27 = arith.constant 0 : i32
    %dma_start3A_28 = arith.constant 0 : i32
    %dma_start3A_29 = tpu.memref_slice %arg3[%dma_start3A_27, %dma_start3A_28] : memref<1015808x64xf32, #tpu.memory_space<hbm>> -> memref<1015808x64xf32, #tpu.memory_space<hbm>>
    tpu.enqueue_indirect_dma source(%dma_start3A_29 : memref<1015808x64xf32, #tpu.memory_space<hbm>>) target(%dma_start3A_23 : memref<96x64xf32, #tpu.memory_space<vmem>>) offsets(%dma_start3A_26 : memref<96xi32, #tpu.memory_space<vmem>>) semaphore(%arg9 : memref<!tpu.dma_semaphore, #tpu.memory_space<semaphore_mem>>)
    %dma_start3A_30 = arith.constant 0 : i32
    %dma_start3A_31 = arith.constant 2 : i32
    %dma_start3A_32 = arith.constant 192 : i32
    %dma_start3A_33 = arith.constant 0 : i32
    %dma_start3A_34 = tpu.memref_slice %arg6[%dma_start3A_32, %dma_start3A_33] : memref<200x64xf32, #tpu.memory_space<vmem>> -> memref<8x64xf32, #tpu.memory_space<vmem>>
    %dma_start3A_35 = arith.constant 0 : i32
    %dma_start3A_36 = tpu.memref_slice %arg5[%dma_start3A_30, %dma_start3A_31, %dma_start3A_35] : memref<128x3x96xi32, #tpu.memory_space<vmem>> -> memref<1x1x8xi32, #tpu.memory_space<vmem>>
    %dma_start3A_37 = tpu.memref_squeeze %dma_start3A_36 : memref<1x1x8xi32, #tpu.memory_space<vmem>> -> memref<8xi32, #tpu.memory_space<vmem>>
    %dma_start3A_38 = arith.constant 0 : i32
    %dma_start3A_39 = arith.constant 0 : i32
    %dma_start3A_40 = tpu.memref_slice %arg3[%dma_start3A_38, %dma_start3A_39] : memref<1015808x64xf32, #tpu.memory_space<hbm>> -> memref<1015808x64xf32, #tpu.memory_space<hbm>>
    tpu.enqueue_indirect_dma source(%dma_start3A_40 : memref<1015808x64xf32, #tpu.memory_space<hbm>>) target(%dma_start3A_34 : memref<8x64xf32, #tpu.memory_space<vmem>>) offsets(%dma_start3A_37 : memref<8xi32, #tpu.memory_space<vmem>>) semaphore(%arg9 : memref<!tpu.dma_semaphore, #tpu.memory_space<semaphore_mem>>)
    %scan3A_41 = arith.constant 0 : i32
    %scan3A_42 = arith.constant 0 : i32
    %scan3A_43 = arith.constant 64 : i32
    %scan3A_44 = arith.addi %scan3A_42, %scan3A_43 : i32
    %scan3A_45 = arith.constant 1 : i32
    %scan3A_46 = scf.for %scan3A_48 = %scan3A_42 to %scan3A_44 step %scan3A_45 iter_args(%scan3A_49 = %scan3A_41) -> (i32)  : i32 {
      %mul3A_50 = arith.constant 2 : i32
      %mul3A_51 = arith.muli %mul3A_50, %scan3A_48 : i32
      %add3A_52 = arith.constant 1 : i32
      %add3A_53 = arith.addi %mul3A_51, %add3A_52 : i32
      %dma_start3A_54 = arith.constant 0 : i32
      %dma_start3A_55 = arith.constant 0 : i32
      %dma_start3A_56 = arith.constant 0 : i32
      %dma_start3A_57 = tpu.memref_slice %arg7[%dma_start3A_55, %dma_start3A_56] : memref<200x64xf32, #tpu.memory_space<vmem>> -> memref<96x64xf32, #tpu.memory_space<vmem>>
      %dma_start3A_58 = arith.constant 0 : i32
      %dma_start3A_59 = tpu.memref_slice %arg5[%add3A_53, %dma_start3A_54, %dma_start3A_58] : memref<128x3x96xi32, #tpu.memory_space<vmem>> -> memref<1x1x96xi32, #tpu.memory_space<vmem>>
      %dma_start3A_60 = tpu.memref_squeeze %dma_start3A_59 : memref<1x1x96xi32, #tpu.memory_space<vmem>> -> memref<96xi32, #tpu.memory_space<vmem>>
      %dma_start3A_61 = arith.constant 0 : i32
      %dma_start3A_62 = arith.constant 0 : i32
      %dma_start3A_63 = tpu.memref_slice %arg3[%dma_start3A_61, %dma_start3A_62] : memref<1015808x64xf32, #tpu.memory_space<hbm>> -> memref<1015808x64xf32, #tpu.memory_space<hbm>>
      tpu.enqueue_indirect_dma source(%dma_start3A_63 : memref<1015808x64xf32, #tpu.memory_space<hbm>>) target(%dma_start3A_57 : memref<96x64xf32, #tpu.memory_space<vmem>>) offsets(%dma_start3A_60 : memref<96xi32, #tpu.memory_space<vmem>>) semaphore(%arg10 : memref<!tpu.dma_semaphore, #tpu.memory_space<semaphore_mem>>)
      %dma_start3A_64 = arith.constant 1 : i32
      %dma_start3A_65 = arith.constant 96 : i32
      %dma_start3A_66 = arith.constant 0 : i32
      %dma_start3A_67 = tpu.memref_slice %arg7[%dma_start3A_65, %dma_start3A_66] : memref<200x64xf32, #tpu.memory_space<vmem>> -> memref<96x64xf32, #tpu.memory_space<vmem>>
      %dma_start3A_68 = arith.constant 0 : i32
      %dma_start3A_69 = tpu.memref_slice %arg5[%add3A_53, %dma_start3A_64, %dma_start3A_68] : memref<128x3x96xi32, #tpu.memory_space<vmem>> -> memref<1x1x96xi32, #tpu.memory_space<vmem>>
      %dma_start3A_70 = tpu.memref_squeeze %dma_start3A_69 : memref<1x1x96xi32, #tpu.memory_space<vmem>> -> memref<96xi32, #tpu.memory_space<vmem>>
      %dma_start3A_71 = arith.constant 0 : i32
      %dma_start3A_72 = arith.constant 0 : i32
      %dma_start3A_73 = tpu.memref_slice %arg3[%dma_start3A_71, %dma_start3A_72] : memref<1015808x64xf32, #tpu.memory_space<hbm>> -> memref<1015808x64xf32, #tpu.memory_space<hbm>>
      tpu.enqueue_indirect_dma source(%dma_start3A_73 : memref<1015808x64xf32, #tpu.memory_space<hbm>>) target(%dma_start3A_67 : memref<96x64xf32, #tpu.memory_space<vmem>>) offsets(%dma_start3A_70 : memref<96xi32, #tpu.memory_space<vmem>>) semaphore(%arg10 : memref<!tpu.dma_semaphore, #tpu.memory_space<semaphore_mem>>)
      %dma_start3A_74 = arith.constant 2 : i32
      %dma_start3A_75 = arith.constant 192 : i32
      %dma_start3A_76 = arith.constant 0 : i32
      %dma_start3A_77 = tpu.memref_slice %arg7[%dma_start3A_75, %dma_start3A_76] : memref<200x64xf32, #tpu.memory_space<vmem>> -> memref<8x64xf32, #tpu.memory_space<vmem>>
      %dma_start3A_78 = arith.constant 0 : i32
      %dma_start3A_79 = tpu.memref_slice %arg5[%add3A_53, %dma_start3A_74, %dma_start3A_78] : memref<128x3x96xi32, #tpu.memory_space<vmem>> -> memref<1x1x8xi32, #tpu.memory_space<vmem>>
      %dma_start3A_80 = tpu.memref_squeeze %dma_start3A_79 : memref<1x1x8xi32, #tpu.memory_space<vmem>> -> memref<8xi32, #tpu.memory_space<vmem>>
      %dma_start3A_81 = arith.constant 0 : i32
      %dma_start3A_82 = arith.constant 0 : i32
      %dma_start3A_83 = tpu.memref_slice %arg3[%dma_start3A_81, %dma_start3A_82] : memref<1015808x64xf32, #tpu.memory_space<hbm>> -> memref<1015808x64xf32, #tpu.memory_space<hbm>>
      tpu.enqueue_indirect_dma source(%dma_start3A_83 : memref<1015808x64xf32, #tpu.memory_space<hbm>>) target(%dma_start3A_77 : memref<8x64xf32, #tpu.memory_space<vmem>>) offsets(%dma_start3A_80 : memref<8xi32, #tpu.memory_space<vmem>>) semaphore(%arg10 : memref<!tpu.dma_semaphore, #tpu.memory_space<semaphore_mem>>)
      %dma_wait3A = arith.constant 0 : i32
      %dma_wait3A_84 = arith.constant 0 : i32
      %dma_wait3A_85 = arith.constant 0 : i32
      %dma_wait3A_86 = arith.constant 0 : i32
      %dma_wait3A_87 = tpu.memref_slice %arg6[%dma_wait3A_85, %dma_wait3A_86] : memref<200x64xf32, #tpu.memory_space<vmem>> -> memref<96x64xf32, #tpu.memory_space<vmem>>
      %dma_wait3A_88 = arith.constant 0 : i32
      %dma_wait3A_89 = tpu.memref_slice %arg5[%dma_wait3A, %dma_wait3A_84, %dma_wait3A_88] : memref<128x3x96xi32, #tpu.memory_space<vmem>> -> memref<1x1x96xi32, #tpu.memory_space<vmem>>
      %dma_wait3A_90 = tpu.memref_squeeze %dma_wait3A_89 : memref<1x1x96xi32, #tpu.memory_space<vmem>> -> memref<96xi32, #tpu.memory_space<vmem>>
      %dma_wait3A_91 = arith.constant 0 : i32
      %dma_wait3A_92 = arith.constant 0 : i32
      %dma_wait3A_93 = tpu.memref_slice %arg3[%dma_wait3A_91, %dma_wait3A_92] : memref<1015808x64xf32, #tpu.memory_space<hbm>> -> memref<1015808x64xf32, #tpu.memory_space<hbm>>
      tpu.wait_indirect_dma semaphore(%arg9 : memref<!tpu.dma_semaphore, #tpu.memory_space<semaphore_mem>>) src(%dma_wait3A_93 : memref<1015808x64xf32, #tpu.memory_space<hbm>>) dst(%dma_wait3A_87 : memref<96x64xf32, #tpu.memory_space<vmem>>)
      %dma_wait3A_94 = arith.constant 0 : i32
      %dma_wait3A_95 = arith.constant 1 : i32
      %dma_wait3A_96 = arith.constant 96 : i32
      %dma_wait3A_97 = arith.constant 0 : i32
      %dma_wait3A_98 = tpu.memref_slice %arg6[%dma_wait3A_96, %dma_wait3A_97] : memref<200x64xf32, #tpu.memory_space<vmem>> -> memref<96x64xf32, #tpu.memory_space<vmem>>
      %dma_wait3A_99 = arith.constant 0 : i32
      %dma_wait3A_100 = tpu.memref_slice %arg5[%dma_wait3A_94, %dma_wait3A_95, %dma_wait3A_99] : memref<128x3x96xi32, #tpu.memory_space<vmem>> -> memref<1x1x96xi32, #tpu.memory_space<vmem>>
      %dma_wait3A_101 = tpu.memref_squeeze %dma_wait3A_100 : memref<1x1x96xi32, #tpu.memory_space<vmem>> -> memref<96xi32, #tpu.memory_space<vmem>>
      %dma_wait3A_102 = arith.constant 0 : i32
      %dma_wait3A_103 = arith.constant 0 : i32
      %dma_wait3A_104 = tpu.memref_slice %arg3[%dma_wait3A_102, %dma_wait3A_103] : memref<1015808x64xf32, #tpu.memory_space<hbm>> -> memref<1015808x64xf32, #tpu.memory_space<hbm>>
      tpu.wait_indirect_dma semaphore(%arg9 : memref<!tpu.dma_semaphore, #tpu.memory_space<semaphore_mem>>) src(%dma_wait3A_104 : memref<1015808x64xf32, #tpu.memory_space<hbm>>) dst(%dma_wait3A_98 : memref<96x64xf32, #tpu.memory_space<vmem>>)
      %dma_wait3A_105 = arith.constant 0 : i32
      %dma_wait3A_106 = arith.constant 2 : i32
      %dma_wait3A_107 = arith.constant 192 : i32
      %dma_wait3A_108 = arith.constant 0 : i32
      %dma_wait3A_109 = tpu.memref_slice %arg6[%dma_wait3A_107, %dma_wait3A_108] : memref<200x64xf32, #tpu.memory_space<vmem>> -> memref<8x64xf32, #tpu.memory_space<vmem>>
      %dma_wait3A_110 = arith.constant 0 : i32
      %dma_wait3A_111 = tpu.memref_slice %arg5[%dma_wait3A_105, %dma_wait3A_106, %dma_wait3A_110] : memref<128x3x96xi32, #tpu.memory_space<vmem>> -> memref<1x1x8xi32, #tpu.memory_space<vmem>>
      %dma_wait3A_112 = tpu.memref_squeeze %dma_wait3A_111 : memref<1x1x8xi32, #tpu.memory_space<vmem>> -> memref<8xi32, #tpu.memory_space<vmem>>
      %dma_wait3A_113 = arith.constant 0 : i32
      %dma_wait3A_114 = arith.constant 0 : i32
      %dma_wait3A_115 = tpu.memref_slice %arg3[%dma_wait3A_113, %dma_wait3A_114] : memref<1015808x64xf32, #tpu.memory_space<hbm>> -> memref<1015808x64xf32, #tpu.memory_space<hbm>>
      tpu.wait_indirect_dma semaphore(%arg9 : memref<!tpu.dma_semaphore, #tpu.memory_space<semaphore_mem>>) src(%dma_wait3A_115 : memref<1015808x64xf32, #tpu.memory_space<hbm>>) dst(%dma_wait3A_109 : memref<8x64xf32, #tpu.memory_space<vmem>>)
      %broadcast_in_dim3A = arith.constant 0.000000e+00 : f32
      %broadcast_in_dim3A_116 = vector.broadcast %broadcast_in_dim3A : f32 to vector<16xf32>
      %scan3A_117 = arith.constant 0 : i32
      %scan3A_118 = arith.constant 200 : i32
      %scan3A_119 = arith.addi %scan3A_117, %scan3A_118 : i32
      %scan3A_120 = arith.constant 8 : i32
      %scan3A_121:4 = scf.for %scan3A_234 = %scan3A_117 to %scan3A_119 step %scan3A_120 iter_args(%scan3A_235 = %broadcast_in_dim3A_116, %scan3A_236 = %broadcast_in_dim3A_116, %scan3A_237 = %broadcast_in_dim3A_116, %scan3A_238 = %broadcast_in_dim3A_116) -> (vector<16xf32>, vector<16xf32>, vector<16xf32>, vector<16xf32>)  : i32 {
        %get3A = arith.index_cast %scan3A_234 : i32 to index
        %get3A_239 = arith.constant 0 : index
        %get3A_240 = tpu.vector_load %arg6[%get3A, %get3A_239] {strides = array<i32>} : memref<200x64xf32, #tpu.memory_space<vmem>>, vector<1x16xf32>,
        %get3A_241 = vector.shape_cast %get3A_240 : vector<1x16xf32> to vector<16xf32>
        %add3A_242 = arith.addf %scan3A_235, %get3A_241 : vector<16xf32>
        %get3A_243 = arith.index_cast %scan3A_234 : i32 to index
        %get3A_244 = arith.constant 16 : index
        %get3A_245 = tpu.vector_load %arg6[%get3A_243, %get3A_244] {strides = array<i32>} : memref<200x64xf32, #tpu.memory_space<vmem>>, vector<1x16xf32>,
        %get3A_246 = vector.shape_cast %get3A_245 : vector<1x16xf32> to vector<16xf32>
        %add3A_247 = arith.addf %scan3A_236, %get3A_246 : vector<16xf32>
        %get3A_248 = arith.index_cast %scan3A_234 : i32 to index
        %get3A_249 = arith.constant 32 : index
        %get3A_250 = tpu.vector_load %arg6[%get3A_248, %get3A_249] {strides = array<i32>} : memref<200x64xf32, #tpu.memory_space<vmem>>, vector<1x16xf32>,
        %get3A_251 = vector.shape_cast %get3A_250 : vector<1x16xf32> to vector<16xf32>
        %add3A_252 = arith.addf %scan3A_237, %get3A_251 : vector<16xf32>
        %get3A_253 = arith.index_cast %scan3A_234 : i32 to index
        %get3A_254 = arith.constant 48 : index
        %get3A_255 = tpu.vector_load %arg6[%get3A_253, %get3A_254] {strides = array<i32>} : memref<200x64xf32, #tpu.memory_space<vmem>>, vector<1x16xf32>,
        %get3A_256 = vector.shape_cast %get3A_255 : vector<1x16xf32> to vector<16xf32>
        %add3A_257 = arith.addf %scan3A_238, %get3A_256 : vector<16xf32>
        %scan3A_258 = arith.constant 1 : i32
        %scan3A_259 = arith.addi %scan3A_234, %scan3A_258 : i32
        %get3A_260 = arith.index_cast %scan3A_259 : i32 to index
        %get3A_261 = arith.constant 0 : index
        %get3A_262 = tpu.vector_load %arg6[%get3A_260, %get3A_261] {strides = array<i32>} : memref<200x64xf32, #tpu.memory_space<vmem>>, vector<1x16xf32>,
        %get3A_263 = vector.shape_cast %get3A_262 : vector<1x16xf32> to vector<16xf32>
        %add3A_264 = arith.addf %add3A_242, %get3A_263 : vector<16xf32>
        %get3A_265 = arith.index_cast %scan3A_259 : i32 to index
        %get3A_266 = arith.constant 16 : index
        %get3A_267 = tpu.vector_load %arg6[%get3A_265, %get3A_266] {strides = array<i32>} : memref<200x64xf32, #tpu.memory_space<vmem>>, vector<1x16xf32>,
        %get3A_268 = vector.shape_cast %get3A_267 : vector<1x16xf32> to vector<16xf32>
        %add3A_269 = arith.addf %add3A_247, %get3A_268 : vector<16xf32>
        %get3A_270 = arith.index_cast %scan3A_259 : i32 to index
        %get3A_271 = arith.constant 32 : index
        %get3A_272 = tpu.vector_load %arg6[%get3A_270, %get3A_271] {strides = array<i32>} : memref<200x64xf32, #tpu.memory_space<vmem>>, vector<1x16xf32>,
        %get3A_273 = vector.shape_cast %get3A_272 : vector<1x16xf32> to vector<16xf32>
        %add3A_274 = arith.addf %add3A_252, %get3A_273 : vector<16xf32>
        %get3A_275 = arith.index_cast %scan3A_259 : i32 to index
        %get3A_276 = arith.constant 48 : index
        %get3A_277 = tpu.vector_load %arg6[%get3A_275, %get3A_276] {strides = array<i32>} : memref<200x64xf32, #tpu.memory_space<vmem>>, vector<1x16xf32>,
        %get3A_278 = vector.shape_cast %get3A_277 : vector<1x16xf32> to vector<16xf32>
        %add3A_279 = arith.addf %add3A_257, %get3A_278 : vector<16xf32>
        %scan3A_280 = arith.constant 2 : i32
        %scan3A_281 = arith.addi %scan3A_234, %scan3A_280 : i32
        %get3A_282 = arith.index_cast %scan3A_281 : i32 to index
        %get3A_283 = arith.constant 0 : index
        %get3A_284 = tpu.vector_load %arg6[%get3A_282, %get3A_283] {strides = array<i32>} : memref<200x64xf32, #tpu.memory_space<vmem>>, vector<1x16xf32>,
        %get3A_285 = vector.shape_cast %get3A_284 : vector<1x16xf32> to vector<16xf32>
        %add3A_286 = arith.addf %add3A_264, %get3A_285 : vector<16xf32>
        %get3A_287 = arith.index_cast %scan3A_281 : i32 to index
        %get3A_288 = arith.constant 16 : index
        %get3A_289 = tpu.vector_load %arg6[%get3A_287, %get3A_288] {strides = array<i32>} : memref<200x64xf32, #tpu.memory_space<vmem>>, vector<1x16xf32>,
        %get3A_290 = vector.shape_cast %get3A_289 : vector<1x16xf32> to vector<16xf32>
        %add3A_291 = arith.addf %add3A_269, %get3A_290 : vector<16xf32>
        %get3A_292 = arith.index_cast %scan3A_281 : i32 to index
        %get3A_293 = arith.constant 32 : index
        %get3A_294 = tpu.vector_load %arg6[%get3A_292, %get3A_293] {strides = array<i32>} : memref<200x64xf32, #tpu.memory_space<vmem>>, vector<1x16xf32>,
        %get3A_295 = vector.shape_cast %get3A_294 : vector<1x16xf32> to vector<16xf32>
        %add3A_296 = arith.addf %add3A_274, %get3A_295 : vector<16xf32>
        %get3A_297 = arith.index_cast %scan3A_281 : i32 to index
        %get3A_298 = arith.constant 48 : index
        %get3A_299 = tpu.vector_load %arg6[%get3A_297, %get3A_298] {strides = array<i32>} : memref<200x64xf32, #tpu.memory_space<vmem>>, vector<1x16xf32>,
        %get3A_300 = vector.shape_cast %get3A_299 : vector<1x16xf32> to vector<16xf32>
        %add3A_301 = arith.addf %add3A_279, %get3A_300 : vector<16xf32>
        %scan3A_302 = arith.constant 3 : i32
        %scan3A_303 = arith.addi %scan3A_234, %scan3A_302 : i32
        %get3A_304 = arith.index_cast %scan3A_303 : i32 to index
        %get3A_305 = arith.constant 0 : index
        %get3A_306 = tpu.vector_load %arg6[%get3A_304, %get3A_305] {strides = array<i32>} : memref<200x64xf32, #tpu.memory_space<vmem>>, vector<1x16xf32>,
        %get3A_307 = vector.shape_cast %get3A_306 : vector<1x16xf32> to vector<16xf32>
        %add3A_308 = arith.addf %add3A_286, %get3A_307 : vector<16xf32>
        %get3A_309 = arith.index_cast %scan3A_303 : i32 to index
        %get3A_310 = arith.constant 16 : index
        %get3A_311 = tpu.vector_load %arg6[%get3A_309, %get3A_310] {strides = array<i32>} : memref<200x64xf32, #tpu.memory_space<vmem>>, vector<1x16xf32>,
        %get3A_312 = vector.shape_cast %get3A_311 : vector<1x16xf32> to vector<16xf32>
        %add3A_313 = arith.addf %add3A_291, %get3A_312 : vector<16xf32>
        %get3A_314 = arith.index_cast %scan3A_303 : i32 to index
        %get3A_315 = arith.constant 32 : index
        %get3A_316 = tpu.vector_load %arg6[%get3A_314, %get3A_315] {strides = array<i32>} : memref<200x64xf32, #tpu.memory_space<vmem>>, vector<1x16xf32>,
        %get3A_317 = vector.shape_cast %get3A_316 : vector<1x16xf32> to vector<16xf32>
        %add3A_318 = arith.addf %add3A_296, %get3A_317 : vector<16xf32>
        %get3A_319 = arith.index_cast %scan3A_303 : i32 to index
        %get3A_320 = arith.constant 48 : index
        %get3A_321 = tpu.vector_load %arg6[%get3A_319, %get3A_320] {strides = array<i32>} : memref<200x64xf32, #tpu.memory_space<vmem>>, vector<1x16xf32>,
        %get3A_322 = vector.shape_cast %get3A_321 : vector<1x16xf32> to vector<16xf32>
        %add3A_323 = arith.addf %add3A_301, %get3A_322 : vector<16xf32>
        %scan3A_324 = arith.constant 4 : i32
        %scan3A_325 = arith.addi %scan3A_234, %scan3A_324 : i32
        %get3A_326 = arith.index_cast %scan3A_325 : i32 to index
        %get3A_327 = arith.constant 0 : index
        %get3A_328 = tpu.vector_load %arg6[%get3A_326, %get3A_327] {strides = array<i32>} : memref<200x64xf32, #tpu.memory_space<vmem>>, vector<1x16xf32>,
        %get3A_329 = vector.shape_cast %get3A_328 : vector<1x16xf32> to vector<16xf32>
        %add3A_330 = arith.addf %add3A_308, %get3A_329 : vector<16xf32>
        %get3A_331 = arith.index_cast %scan3A_325 : i32 to index
        %get3A_332 = arith.constant 16 : index
        %get3A_333 = tpu.vector_load %arg6[%get3A_331, %get3A_332] {strides = array<i32>} : memref<200x64xf32, #tpu.memory_space<vmem>>, vector<1x16xf32>,
        %get3A_334 = vector.shape_cast %get3A_333 : vector<1x16xf32> to vector<16xf32>
        %add3A_335 = arith.addf %add3A_313, %get3A_334 : vector<16xf32>
        %get3A_336 = arith.index_cast %scan3A_325 : i32 to index
        %get3A_337 = arith.constant 32 : index
        %get3A_338 = tpu.vector_load %arg6[%get3A_336, %get3A_337] {strides = array<i32>} : memref<200x64xf32, #tpu.memory_space<vmem>>, vector<1x16xf32>,
        %get3A_339 = vector.shape_cast %get3A_338 : vector<1x16xf32> to vector<16xf32>
        %add3A_340 = arith.addf %add3A_318, %get3A_339 : vector<16xf32>
        %get3A_341 = arith.index_cast %scan3A_325 : i32 to index
        %get3A_342 = arith.constant 48 : index
        %get3A_343 = tpu.vector_load %arg6[%get3A_341, %get3A_342] {strides = array<i32>} : memref<200x64xf32, #tpu.memory_space<vmem>>, vector<1x16xf32>,
        %get3A_344 = vector.shape_cast %get3A_343 : vector<1x16xf32> to vector<16xf32>
        %add3A_345 = arith.addf %add3A_323, %get3A_344 : vector<16xf32>
        %scan3A_346 = arith.constant 5 : i32
        %scan3A_347 = arith.addi %scan3A_234, %scan3A_346 : i32
        %get3A_348 = arith.index_cast %scan3A_347 : i32 to index
        %get3A_349 = arith.constant 0 : index
        %get3A_350 = tpu.vector_load %arg6[%get3A_348, %get3A_349] {strides = array<i32>} : memref<200x64xf32, #tpu.memory_space<vmem>>, vector<1x16xf32>,
        %get3A_351 = vector.shape_cast %get3A_350 : vector<1x16xf32> to vector<16xf32>
        %add3A_352 = arith.addf %add3A_330, %get3A_351 : vector<16xf32>
        %get3A_353 = arith.index_cast %scan3A_347 : i32 to index
        %get3A_354 = arith.constant 16 : index
        %get3A_355 = tpu.vector_load %arg6[%get3A_353, %get3A_354] {strides = array<i32>} : memref<200x64xf32, #tpu.memory_space<vmem>>, vector<1x16xf32>,
        %get3A_356 = vector.shape_cast %get3A_355 : vector<1x16xf32> to vector<16xf32>
        %add3A_357 = arith.addf %add3A_335, %get3A_356 : vector<16xf32>
        %get3A_358 = arith.index_cast %scan3A_347 : i32 to index
        %get3A_359 = arith.constant 32 : index
        %get3A_360 = tpu.vector_load %arg6[%get3A_358, %get3A_359] {strides = array<i32>} : memref<200x64xf32, #tpu.memory_space<vmem>>, vector<1x16xf32>,
        %get3A_361 = vector.shape_cast %get3A_360 : vector<1x16xf32> to vector<16xf32>
        %add3A_362 = arith.addf %add3A_340, %get3A_361 : vector<16xf32>
        %get3A_363 = arith.index_cast %scan3A_347 : i32 to index
        %get3A_364 = arith.constant 48 : index
        %get3A_365 = tpu.vector_load %arg6[%get3A_363, %get3A_364] {strides = array<i32>} : memref<200x64xf32, #tpu.memory_space<vmem>>, vector<1x16xf32>,
        %get3A_366 = vector.shape_cast %get3A_365 : vector<1x16xf32> to vector<16xf32>
        %add3A_367 = arith.addf %add3A_345, %get3A_366 : vector<16xf32>
        %scan3A_368 = arith.constant 6 : i32
        %scan3A_369 = arith.addi %scan3A_234, %scan3A_368 : i32
        %get3A_370 = arith.index_cast %scan3A_369 : i32 to index
        %get3A_371 = arith.constant 0 : index
        %get3A_372 = tpu.vector_load %arg6[%get3A_370, %get3A_371] {strides = array<i32>} : memref<200x64xf32, #tpu.memory_space<vmem>>, vector<1x16xf32>,
        %get3A_373 = vector.shape_cast %get3A_372 : vector<1x16xf32> to vector<16xf32>
        %add3A_374 = arith.addf %add3A_352, %get3A_373 : vector<16xf32>
        %get3A_375 = arith.index_cast %scan3A_369 : i32 to index
        %get3A_376 = arith.constant 16 : index
        %get3A_377 = tpu.vector_load %arg6[%get3A_375, %get3A_376] {strides = array<i32>} : memref<200x64xf32, #tpu.memory_space<vmem>>, vector<1x16xf32>,
        %get3A_378 = vector.shape_cast %get3A_377 : vector<1x16xf32> to vector<16xf32>
        %add3A_379 = arith.addf %add3A_357, %get3A_378 : vector<16xf32>
        %get3A_380 = arith.index_cast %scan3A_369 : i32 to index
        %get3A_381 = arith.constant 32 : index
        %get3A_382 = tpu.vector_load %arg6[%get3A_380, %get3A_381] {strides = array<i32>} : memref<200x64xf32, #tpu.memory_space<vmem>>, vector<1x16xf32>,
        %get3A_383 = vector.shape_cast %get3A_382 : vector<1x16xf32> to vector<16xf32>
        %add3A_384 = arith.addf %add3A_362, %get3A_383 : vector<16xf32>
        %get3A_385 = arith.index_cast %scan3A_369 : i32 to index
        %get3A_386 = arith.constant 48 : index
        %get3A_387 = tpu.vector_load %arg6[%get3A_385, %get3A_386] {strides = array<i32>} : memref<200x64xf32, #tpu.memory_space<vmem>>, vector<1x16xf32>,
        %get3A_388 = vector.shape_cast %get3A_387 : vector<1x16xf32> to vector<16xf32>
        %add3A_389 = arith.addf %add3A_367, %get3A_388 : vector<16xf32>
        %scan3A_390 = arith.constant 7 : i32
        %scan3A_391 = arith.addi %scan3A_234, %scan3A_390 : i32
        %get3A_392 = arith.index_cast %scan3A_391 : i32 to index
        %get3A_393 = arith.constant 0 : index
        %get3A_394 = tpu.vector_load %arg6[%get3A_392, %get3A_393] {strides = array<i32>} : memref<200x64xf32, #tpu.memory_space<vmem>>, vector<1x16xf32>,
        %get3A_395 = vector.shape_cast %get3A_394 : vector<1x16xf32> to vector<16xf32>
        %add3A_396 = arith.addf %add3A_374, %get3A_395 : vector<16xf32>
        %get3A_397 = arith.index_cast %scan3A_391 : i32 to index
        %get3A_398 = arith.constant 16 : index
        %get3A_399 = tpu.vector_load %arg6[%get3A_397, %get3A_398] {strides = array<i32>} : memref<200x64xf32, #tpu.memory_space<vmem>>, vector<1x16xf32>,
        %get3A_400 = vector.shape_cast %get3A_399 : vector<1x16xf32> to vector<16xf32>
        %add3A_401 = arith.addf %add3A_379, %get3A_400 : vector<16xf32>
        %get3A_402 = arith.index_cast %scan3A_391 : i32 to index
        %get3A_403 = arith.constant 32 : index
        %get3A_404 = tpu.vector_load %arg6[%get3A_402, %get3A_403] {strides = array<i32>} : memref<200x64xf32, #tpu.memory_space<vmem>>, vector<1x16xf32>,
        %get3A_405 = vector.shape_cast %get3A_404 : vector<1x16xf32> to vector<16xf32>
        %add3A_406 = arith.addf %add3A_384, %get3A_405 : vector<16xf32>
        %get3A_407 = arith.index_cast %scan3A_391 : i32 to index
        %get3A_408 = arith.constant 48 : index
        %get3A_409 = tpu.vector_load %arg6[%get3A_407, %get3A_408] {strides = array<i32>} : memref<200x64xf32, #tpu.memory_space<vmem>>, vector<1x16xf32>,
        %get3A_410 = vector.shape_cast %get3A_409 : vector<1x16xf32> to vector<16xf32>
        %add3A_411 = arith.addf %add3A_389, %get3A_410 : vector<16xf32>
        scf.yield %add3A_396, %add3A_401, %add3A_406, %add3A_411 : vector<16xf32>, vector<16xf32>, vector<16xf32>, vector<16xf32>
      }
      %scan3A_122 = arith.constant 200 : i32
      %mul3A_123 = arith.constant 5.000000e-03 : f32
      %mul3A_124 = vector.broadcast %mul3A_123 : f32 to vector<16xf32>
      %mul3A_125 = arith.mulf %scan3A_121#0, %mul3A_124 : vector<16xf32>
      %swap3A = arith.index_cast %mul3A_51 : i32 to index
      %swap3A_126 = arith.constant 0 : index
      %swap3A_127 = tpu.vector_load %arg8[%swap3A, %swap3A_126] {strides = array<i32>} : memref<128x64xf32, #tpu.memory_space<vmem>>, vector<1x16xf32>,
      %swap3A_128 = vector.shape_cast %swap3A_127 : vector<1x16xf32> to vector<16xf32>
      %swap3A_129 = vector.shape_cast %mul3A_125 : vector<16xf32> to vector<1x16xf32>
      tpu.vector_store %arg8[%swap3A, %swap3A_126], %swap3A_129 {strides = array<i32>} : memref<128x64xf32, #tpu.memory_space<vmem>>, vector<1x16xf32>,
      %mul3A_130 = arith.constant 5.000000e-03 : f32
      %mul3A_131 = vector.broadcast %mul3A_130 : f32 to vector<16xf32>
      %mul3A_132 = arith.mulf %scan3A_121#1, %mul3A_131 : vector<16xf32>
      %swap3A_133 = arith.index_cast %mul3A_51 : i32 to index
      %swap3A_134 = arith.constant 16 : index
      %swap3A_135 = tpu.vector_load %arg8[%swap3A_133, %swap3A_134] {strides = array<i32>} : memref<128x64xf32, #tpu.memory_space<vmem>>, vector<1x16xf32>,
      %swap3A_136 = vector.shape_cast %swap3A_135 : vector<1x16xf32> to vector<16xf32>
      %swap3A_137 = vector.shape_cast %mul3A_132 : vector<16xf32> to vector<1x16xf32>
      tpu.vector_store %arg8[%swap3A_133, %swap3A_134], %swap3A_137 {strides = array<i32>} : memref<128x64xf32, #tpu.memory_space<vmem>>, vector<1x16xf32>,
      %mul3A_138 = arith.constant 5.000000e-03 : f32
      %mul3A_139 = vector.broadcast %mul3A_138 : f32 to vector<16xf32>
      %mul3A_140 = arith.mulf %scan3A_121#2, %mul3A_139 : vector<16xf32>
      %swap3A_141 = arith.index_cast %mul3A_51 : i32 to index
      %swap3A_142 = arith.constant 32 : index
      %swap3A_143 = tpu.vector_load %arg8[%swap3A_141, %swap3A_142] {strides = array<i32>} : memref<128x64xf32, #tpu.memory_space<vmem>>, vector<1x16xf32>,
      %swap3A_144 = vector.shape_cast %swap3A_143 : vector<1x16xf32> to vector<16xf32>
      %swap3A_145 = vector.shape_cast %mul3A_140 : vector<16xf32> to vector<1x16xf32>
      tpu.vector_store %arg8[%swap3A_141, %swap3A_142], %swap3A_145 {strides = array<i32>} : memref<128x64xf32, #tpu.memory_space<vmem>>, vector<1x16xf32>,
      %mul3A_146 = arith.constant 5.000000e-03 : f32
      %mul3A_147 = vector.broadcast %mul3A_146 : f32 to vector<16xf32>
      %mul3A_148 = arith.mulf %scan3A_121#3, %mul3A_147 : vector<16xf32>
      %swap3A_149 = arith.index_cast %mul3A_51 : i32 to index
      %swap3A_150 = arith.constant 48 : index
      %swap3A_151 = tpu.vector_load %arg8[%swap3A_149, %swap3A_150] {strides = array<i32>} : memref<128x64xf32, #tpu.memory_space<vmem>>, vector<1x16xf32>,
      %swap3A_152 = vector.shape_cast %swap3A_151 : vector<1x16xf32> to vector<16xf32>
      %swap3A_153 = vector.shape_cast %mul3A_148 : vector<16xf32> to vector<1x16xf32>
      tpu.vector_store %arg8[%swap3A_149, %swap3A_150], %swap3A_153 {strides = array<i32>} : memref<128x64xf32, #tpu.memory_space<vmem>>, vector<1x16xf32>,
      %add3A_154 = arith.constant 2 : i32
      %add3A_155 = arith.addi %mul3A_51, %add3A_154 : i32
      %lt3A = arith.constant 128 : i32
      %lt3A_156 = arith.cmpi slt, %add3A_155, %lt3A : i32
      %convert_element_type3A = arith.extui %lt3A_156 : i1 to i32
      %cond3A = arith.constant 0 : i32
      %cond3A_157 = arith.cmpi ne, %convert_element_type3A, %cond3A : i32
      scf.if %cond3A_157 {
        %add3A_234 = arith.constant 2 : i32
        %add3A_235 = arith.addi %mul3A_51, %add3A_234 : i32
        %dma_start3A_236 = arith.constant 0 : i32
        %dma_start3A_237 = arith.constant 0 : i32
        %dma_start3A_238 = arith.constant 0 : i32
        %dma_start3A_239 = tpu.memref_slice %arg6[%dma_start3A_237, %dma_start3A_238] : memref<200x64xf32, #tpu.memory_space<vmem>> -> memref<96x64xf32, #tpu.memory_space<vmem>>
        %dma_start3A_240 = arith.constant 0 : i32
        %dma_start3A_241 = tpu.memref_slice %arg5[%add3A_235, %dma_start3A_236, %dma_start3A_240] : memref<128x3x96xi32, #tpu.memory_space<vmem>> -> memref<1x1x96xi32, #tpu.memory_space<vmem>>
        %dma_start3A_242 = tpu.memref_squeeze %dma_start3A_241 : memref<1x1x96xi32, #tpu.memory_space<vmem>> -> memref<96xi32, #tpu.memory_space<vmem>>
        %dma_start3A_243 = arith.constant 0 : i32
        %dma_start3A_244 = arith.constant 0 : i32
        %dma_start3A_245 = tpu.memref_slice %arg3[%dma_start3A_243, %dma_start3A_244] : memref<1015808x64xf32, #tpu.memory_space<hbm>> -> memref<1015808x64xf32, #tpu.memory_space<hbm>>
        tpu.enqueue_indirect_dma source(%dma_start3A_245 : memref<1015808x64xf32, #tpu.memory_space<hbm>>) target(%dma_start3A_239 : memref<96x64xf32, #tpu.memory_space<vmem>>) offsets(%dma_start3A_242 : memref<96xi32, #tpu.memory_space<vmem>>) semaphore(%arg9 : memref<!tpu.dma_semaphore, #tpu.memory_space<semaphore_mem>>)
        %dma_start3A_246 = arith.constant 1 : i32
        %dma_start3A_247 = arith.constant 96 : i32
        %dma_start3A_248 = arith.constant 0 : i32
        %dma_start3A_249 = tpu.memref_slice %arg6[%dma_start3A_247, %dma_start3A_248] : memref<200x64xf32, #tpu.memory_space<vmem>> -> memref<96x64xf32, #tpu.memory_space<vmem>>
        %dma_start3A_250 = arith.constant 0 : i32
        %dma_start3A_251 = tpu.memref_slice %arg5[%add3A_235, %dma_start3A_246, %dma_start3A_250] : memref<128x3x96xi32, #tpu.memory_space<vmem>> -> memref<1x1x96xi32, #tpu.memory_space<vmem>>
        %dma_start3A_252 = tpu.memref_squeeze %dma_start3A_251 : memref<1x1x96xi32, #tpu.memory_space<vmem>> -> memref<96xi32, #tpu.memory_space<vmem>>
        %dma_start3A_253 = arith.constant 0 : i32
        %dma_start3A_254 = arith.constant 0 : i32
        %dma_start3A_255 = tpu.memref_slice %arg3[%dma_start3A_253, %dma_start3A_254] : memref<1015808x64xf32, #tpu.memory_space<hbm>> -> memref<1015808x64xf32, #tpu.memory_space<hbm>>
        tpu.enqueue_indirect_dma source(%dma_start3A_255 : memref<1015808x64xf32, #tpu.memory_space<hbm>>) target(%dma_start3A_249 : memref<96x64xf32, #tpu.memory_space<vmem>>) offsets(%dma_start3A_252 : memref<96xi32, #tpu.memory_space<vmem>>) semaphore(%arg9 : memref<!tpu.dma_semaphore, #tpu.memory_space<semaphore_mem>>)
        %dma_start3A_256 = arith.constant 2 : i32
        %dma_start3A_257 = arith.constant 192 : i32
        %dma_start3A_258 = arith.constant 0 : i32
        %dma_start3A_259 = tpu.memref_slice %arg6[%dma_start3A_257, %dma_start3A_258] : memref<200x64xf32, #tpu.memory_space<vmem>> -> memref<8x64xf32, #tpu.memory_space<vmem>>
        %dma_start3A_260 = arith.constant 0 : i32
        %dma_start3A_261 = tpu.memref_slice %arg5[%add3A_235, %dma_start3A_256, %dma_start3A_260] : memref<128x3x96xi32, #tpu.memory_space<vmem>> -> memref<1x1x8xi32, #tpu.memory_space<vmem>>
        %dma_start3A_262 = tpu.memref_squeeze %dma_start3A_261 : memref<1x1x8xi32, #tpu.memory_space<vmem>> -> memref<8xi32, #tpu.memory_space<vmem>>
        %dma_start3A_263 = arith.constant 0 : i32
        %dma_start3A_264 = arith.constant 0 : i32
        %dma_start3A_265 = tpu.memref_slice %arg3[%dma_start3A_263, %dma_start3A_264] : memref<1015808x64xf32, #tpu.memory_space<hbm>> -> memref<1015808x64xf32, #tpu.memory_space<hbm>>
        tpu.enqueue_indirect_dma source(%dma_start3A_265 : memref<1015808x64xf32, #tpu.memory_space<hbm>>) target(%dma_start3A_259 : memref<8x64xf32, #tpu.memory_space<vmem>>) offsets(%dma_start3A_262 : memref<8xi32, #tpu.memory_space<vmem>>) semaphore(%arg9 : memref<!tpu.dma_semaphore, #tpu.memory_space<semaphore_mem>>)
      } else {
      }
      %dma_wait3A_158 = arith.constant 0 : i32
      %dma_wait3A_159 = arith.constant 0 : i32
      %dma_wait3A_160 = arith.constant 0 : i32
      %dma_wait3A_161 = arith.constant 0 : i32
      %dma_wait3A_162 = tpu.memref_slice %arg7[%dma_wait3A_160, %dma_wait3A_161] : memref<200x64xf32, #tpu.memory_space<vmem>> -> memref<96x64xf32, #tpu.memory_space<vmem>>
      %dma_wait3A_163 = arith.constant 0 : i32
      %dma_wait3A_164 = tpu.memref_slice %arg5[%dma_wait3A_158, %dma_wait3A_159, %dma_wait3A_163] : memref<128x3x96xi32, #tpu.memory_space<vmem>> -> memref<1x1x96xi32, #tpu.memory_space<vmem>>
      %dma_wait3A_165 = tpu.memref_squeeze %dma_wait3A_164 : memref<1x1x96xi32, #tpu.memory_space<vmem>> -> memref<96xi32, #tpu.memory_space<vmem>>
      %dma_wait3A_166 = arith.constant 0 : i32
      %dma_wait3A_167 = arith.constant 0 : i32
      %dma_wait3A_168 = tpu.memref_slice %arg3[%dma_wait3A_166, %dma_wait3A_167] : memref<1015808x64xf32, #tpu.memory_space<hbm>> -> memref<1015808x64xf32, #tpu.memory_space<hbm>>
      tpu.wait_indirect_dma semaphore(%arg10 : memref<!tpu.dma_semaphore, #tpu.memory_space<semaphore_mem>>) src(%dma_wait3A_168 : memref<1015808x64xf32, #tpu.memory_space<hbm>>) dst(%dma_wait3A_162 : memref<96x64xf32, #tpu.memory_space<vmem>>)
      %dma_wait3A_169 = arith.constant 0 : i32
      %dma_wait3A_170 = arith.constant 1 : i32
      %dma_wait3A_171 = arith.constant 96 : i32
      %dma_wait3A_172 = arith.constant 0 : i32
      %dma_wait3A_173 = tpu.memref_slice %arg7[%dma_wait3A_171, %dma_wait3A_172] : memref<200x64xf32, #tpu.memory_space<vmem>> -> memref<96x64xf32, #tpu.memory_space<vmem>>
      %dma_wait3A_174 = arith.constant 0 : i32
      %dma_wait3A_175 = tpu.memref_slice %arg5[%dma_wait3A_169, %dma_wait3A_170, %dma_wait3A_174] : memref<128x3x96xi32, #tpu.memory_space<vmem>> -> memref<1x1x96xi32, #tpu.memory_space<vmem>>
      %dma_wait3A_176 = tpu.memref_squeeze %dma_wait3A_175 : memref<1x1x96xi32, #tpu.memory_space<vmem>> -> memref<96xi32, #tpu.memory_space<vmem>>
      %dma_wait3A_177 = arith.constant 0 : i32
      %dma_wait3A_178 = arith.constant 0 : i32
      %dma_wait3A_179 = tpu.memref_slice %arg3[%dma_wait3A_177, %dma_wait3A_178] : memref<1015808x64xf32, #tpu.memory_space<hbm>> -> memref<1015808x64xf32, #tpu.memory_space<hbm>>
      tpu.wait_indirect_dma semaphore(%arg10 : memref<!tpu.dma_semaphore, #tpu.memory_space<semaphore_mem>>) src(%dma_wait3A_179 : memref<1015808x64xf32, #tpu.memory_space<hbm>>) dst(%dma_wait3A_173 : memref<96x64xf32, #tpu.memory_space<vmem>>)
      %dma_wait3A_180 = arith.constant 0 : i32
      %dma_wait3A_181 = arith.constant 2 : i32
      %dma_wait3A_182 = arith.constant 192 : i32
      %dma_wait3A_183 = arith.constant 0 : i32
      %dma_wait3A_184 = tpu.memref_slice %arg7[%dma_wait3A_182, %dma_wait3A_183] : memref<200x64xf32, #tpu.memory_space<vmem>> -> memref<8x64xf32, #tpu.memory_space<vmem>>
      %dma_wait3A_185 = arith.constant 0 : i32
      %dma_wait3A_186 = tpu.memref_slice %arg5[%dma_wait3A_180, %dma_wait3A_181, %dma_wait3A_185] : memref<128x3x96xi32, #tpu.memory_space<vmem>> -> memref<1x1x8xi32, #tpu.memory_space<vmem>>
      %dma_wait3A_187 = tpu.memref_squeeze %dma_wait3A_186 : memref<1x1x8xi32, #tpu.memory_space<vmem>> -> memref<8xi32, #tpu.memory_space<vmem>>
      %dma_wait3A_188 = arith.constant 0 : i32
      %dma_wait3A_189 = arith.constant 0 : i32
      %dma_wait3A_190 = tpu.memref_slice %arg3[%dma_wait3A_188, %dma_wait3A_189] : memref<1015808x64xf32, #tpu.memory_space<hbm>> -> memref<1015808x64xf32, #tpu.memory_space<hbm>>
      tpu.wait_indirect_dma semaphore(%arg10 : memref<!tpu.dma_semaphore, #tpu.memory_space<semaphore_mem>>) src(%dma_wait3A_190 : memref<1015808x64xf32, #tpu.memory_space<hbm>>) dst(%dma_wait3A_184 : memref<8x64xf32, #tpu.memory_space<vmem>>)
      %add3A_191 = arith.constant 1 : i32
      %add3A_192 = arith.addi %mul3A_51, %add3A_191 : i32
      %broadcast_in_dim3A_193 = arith.constant 0.000000e+00 : f32
      %broadcast_in_dim3A_194 = vector.broadcast %broadcast_in_dim3A_193 : f32 to vector<16xf32>
      %scan3A_195 = arith.constant 0 : i32
      %scan3A_196 = arith.constant 200 : i32
      %scan3A_197 = arith.addi %scan3A_195, %scan3A_196 : i32
      %scan3A_198 = arith.constant 8 : i32
      %scan3A_199:4 = scf.for %scan3A_234 = %scan3A_195 to %scan3A_197 step %scan3A_198 iter_args(%scan3A_235 = %broadcast_in_dim3A_194, %scan3A_236 = %broadcast_in_dim3A_194, %scan3A_237 = %broadcast_in_dim3A_194, %scan3A_238 = %broadcast_in_dim3A_194) -> (vector<16xf32>, vector<16xf32>, vector<16xf32>, vector<16xf32>)  : i32 {
        %get3A = arith.index_cast %scan3A_234 : i32 to index
        %get3A_239 = arith.constant 0 : index
        %get3A_240 = tpu.vector_load %arg7[%get3A, %get3A_239] {strides = array<i32>} : memref<200x64xf32, #tpu.memory_space<vmem>>, vector<1x16xf32>,
        %get3A_241 = vector.shape_cast %get3A_240 : vector<1x16xf32> to vector<16xf32>
        %add3A_242 = arith.addf %scan3A_235, %get3A_241 : vector<16xf32>
        %get3A_243 = arith.index_cast %scan3A_234 : i32 to index
        %get3A_244 = arith.constant 16 : index
        %get3A_245 = tpu.vector_load %arg7[%get3A_243, %get3A_244] {strides = array<i32>} : memref<200x64xf32, #tpu.memory_space<vmem>>, vector<1x16xf32>,
        %get3A_246 = vector.shape_cast %get3A_245 : vector<1x16xf32> to vector<16xf32>
        %add3A_247 = arith.addf %scan3A_236, %get3A_246 : vector<16xf32>
        %get3A_248 = arith.index_cast %scan3A_234 : i32 to index
        %get3A_249 = arith.constant 32 : index
        %get3A_250 = tpu.vector_load %arg7[%get3A_248, %get3A_249] {strides = array<i32>} : memref<200x64xf32, #tpu.memory_space<vmem>>, vector<1x16xf32>,
        %get3A_251 = vector.shape_cast %get3A_250 : vector<1x16xf32> to vector<16xf32>
        %add3A_252 = arith.addf %scan3A_237, %get3A_251 : vector<16xf32>
        %get3A_253 = arith.index_cast %scan3A_234 : i32 to index
        %get3A_254 = arith.constant 48 : index
        %get3A_255 = tpu.vector_load %arg7[%get3A_253, %get3A_254] {strides = array<i32>} : memref<200x64xf32, #tpu.memory_space<vmem>>, vector<1x16xf32>,
        %get3A_256 = vector.shape_cast %get3A_255 : vector<1x16xf32> to vector<16xf32>
        %add3A_257 = arith.addf %scan3A_238, %get3A_256 : vector<16xf32>
        %scan3A_258 = arith.constant 1 : i32
        %scan3A_259 = arith.addi %scan3A_234, %scan3A_258 : i32
        %get3A_260 = arith.index_cast %scan3A_259 : i32 to index
        %get3A_261 = arith.constant 0 : index
        %get3A_262 = tpu.vector_load %arg7[%get3A_260, %get3A_261] {strides = array<i32>} : memref<200x64xf32, #tpu.memory_space<vmem>>, vector<1x16xf32>,
        %get3A_263 = vector.shape_cast %get3A_262 : vector<1x16xf32> to vector<16xf32>
        %add3A_264 = arith.addf %add3A_242, %get3A_263 : vector<16xf32>
        %get3A_265 = arith.index_cast %scan3A_259 : i32 to index
        %get3A_266 = arith.constant 16 : index
        %get3A_267 = tpu.vector_load %arg7[%get3A_265, %get3A_266] {strides = array<i32>} : memref<200x64xf32, #tpu.memory_space<vmem>>, vector<1x16xf32>,
        %get3A_268 = vector.shape_cast %get3A_267 : vector<1x16xf32> to vector<16xf32>
        %add3A_269 = arith.addf %add3A_247, %get3A_268 : vector<16xf32>
        %get3A_270 = arith.index_cast %scan3A_259 : i32 to index
        %get3A_271 = arith.constant 32 : index
        %get3A_272 = tpu.vector_load %arg7[%get3A_270, %get3A_271] {strides = array<i32>} : memref<200x64xf32, #tpu.memory_space<vmem>>, vector<1x16xf32>,
        %get3A_273 = vector.shape_cast %get3A_272 : vector<1x16xf32> to vector<16xf32>
        %add3A_274 = arith.addf %add3A_252, %get3A_273 : vector<16xf32>
        %get3A_275 = arith.index_cast %scan3A_259 : i32 to index
        %get3A_276 = arith.constant 48 : index
        %get3A_277 = tpu.vector_load %arg7[%get3A_275, %get3A_276] {strides = array<i32>} : memref<200x64xf32, #tpu.memory_space<vmem>>, vector<1x16xf32>,
        %get3A_278 = vector.shape_cast %get3A_277 : vector<1x16xf32> to vector<16xf32>
        %add3A_279 = arith.addf %add3A_257, %get3A_278 : vector<16xf32>
        %scan3A_280 = arith.constant 2 : i32
        %scan3A_281 = arith.addi %scan3A_234, %scan3A_280 : i32
        %get3A_282 = arith.index_cast %scan3A_281 : i32 to index
        %get3A_283 = arith.constant 0 : index
        %get3A_284 = tpu.vector_load %arg7[%get3A_282, %get3A_283] {strides = array<i32>} : memref<200x64xf32, #tpu.memory_space<vmem>>, vector<1x16xf32>,
        %get3A_285 = vector.shape_cast %get3A_284 : vector<1x16xf32> to vector<16xf32>
        %add3A_286 = arith.addf %add3A_264, %get3A_285 : vector<16xf32>
        %get3A_287 = arith.index_cast %scan3A_281 : i32 to index
        %get3A_288 = arith.constant 16 : index
        %get3A_289 = tpu.vector_load %arg7[%get3A_287, %get3A_288] {strides = array<i32>} : memref<200x64xf32, #tpu.memory_space<vmem>>, vector<1x16xf32>,
        %get3A_290 = vector.shape_cast %get3A_289 : vector<1x16xf32> to vector<16xf32>
        %add3A_291 = arith.addf %add3A_269, %get3A_290 : vector<16xf32>
        %get3A_292 = arith.index_cast %scan3A_281 : i32 to index
        %get3A_293 = arith.constant 32 : index
        %get3A_294 = tpu.vector_load %arg7[%get3A_292, %get3A_293] {strides = array<i32>} : memref<200x64xf32, #tpu.memory_space<vmem>>, vector<1x16xf32>,
        %get3A_295 = vector.shape_cast %get3A_294 : vector<1x16xf32> to vector<16xf32>
        %add3A_296 = arith.addf %add3A_274, %get3A_295 : vector<16xf32>
        %get3A_297 = arith.index_cast %scan3A_281 : i32 to index
        %get3A_298 = arith.constant 48 : index
        %get3A_299 = tpu.vector_load %arg7[%get3A_297, %get3A_298] {strides = array<i32>} : memref<200x64xf32, #tpu.memory_space<vmem>>, vector<1x16xf32>,
        %get3A_300 = vector.shape_cast %get3A_299 : vector<1x16xf32> to vector<16xf32>
        %add3A_301 = arith.addf %add3A_279, %get3A_300 : vector<16xf32>
        %scan3A_302 = arith.constant 3 : i32
        %scan3A_303 = arith.addi %scan3A_234, %scan3A_302 : i32
        %get3A_304 = arith.index_cast %scan3A_303 : i32 to index
        %get3A_305 = arith.constant 0 : index
        %get3A_306 = tpu.vector_load %arg7[%get3A_304, %get3A_305] {strides = array<i32>} : memref<200x64xf32, #tpu.memory_space<vmem>>, vector<1x16xf32>,
        %get3A_307 = vector.shape_cast %get3A_306 : vector<1x16xf32> to vector<16xf32>
        %add3A_308 = arith.addf %add3A_286, %get3A_307 : vector<16xf32>
        %get3A_309 = arith.index_cast %scan3A_303 : i32 to index
        %get3A_310 = arith.constant 16 : index
        %get3A_311 = tpu.vector_load %arg7[%get3A_309, %get3A_310] {strides = array<i32>} : memref<200x64xf32, #tpu.memory_space<vmem>>, vector<1x16xf32>,
        %get3A_312 = vector.shape_cast %get3A_311 : vector<1x16xf32> to vector<16xf32>
        %add3A_313 = arith.addf %add3A_291, %get3A_312 : vector<16xf32>
        %get3A_314 = arith.index_cast %scan3A_303 : i32 to index
        %get3A_315 = arith.constant 32 : index
        %get3A_316 = tpu.vector_load %arg7[%get3A_314, %get3A_315] {strides = array<i32>} : memref<200x64xf32, #tpu.memory_space<vmem>>, vector<1x16xf32>,
        %get3A_317 = vector.shape_cast %get3A_316 : vector<1x16xf32> to vector<16xf32>
        %add3A_318 = arith.addf %add3A_296, %get3A_317 : vector<16xf32>
        %get3A_319 = arith.index_cast %scan3A_303 : i32 to index
        %get3A_320 = arith.constant 48 : index
        %get3A_321 = tpu.vector_load %arg7[%get3A_319, %get3A_320] {strides = array<i32>} : memref<200x64xf32, #tpu.memory_space<vmem>>, vector<1x16xf32>,
        %get3A_322 = vector.shape_cast %get3A_321 : vector<1x16xf32> to vector<16xf32>
        %add3A_323 = arith.addf %add3A_301, %get3A_322 : vector<16xf32>
        %scan3A_324 = arith.constant 4 : i32
        %scan3A_325 = arith.addi %scan3A_234, %scan3A_324 : i32
        %get3A_326 = arith.index_cast %scan3A_325 : i32 to index
        %get3A_327 = arith.constant 0 : index
        %get3A_328 = tpu.vector_load %arg7[%get3A_326, %get3A_327] {strides = array<i32>} : memref<200x64xf32, #tpu.memory_space<vmem>>, vector<1x16xf32>,
        %get3A_329 = vector.shape_cast %get3A_328 : vector<1x16xf32> to vector<16xf32>
        %add3A_330 = arith.addf %add3A_308, %get3A_329 : vector<16xf32>
        %get3A_331 = arith.index_cast %scan3A_325 : i32 to index
        %get3A_332 = arith.constant 16 : index
        %get3A_333 = tpu.vector_load %arg7[%get3A_331, %get3A_332] {strides = array<i32>} : memref<200x64xf32, #tpu.memory_space<vmem>>, vector<1x16xf32>,
        %get3A_334 = vector.shape_cast %get3A_333 : vector<1x16xf32> to vector<16xf32>
        %add3A_335 = arith.addf %add3A_313, %get3A_334 : vector<16xf32>
        %get3A_336 = arith.index_cast %scan3A_325 : i32 to index
        %get3A_337 = arith.constant 32 : index
        %get3A_338 = tpu.vector_load %arg7[%get3A_336, %get3A_337] {strides = array<i32>} : memref<200x64xf32, #tpu.memory_space<vmem>>, vector<1x16xf32>,
        %get3A_339 = vector.shape_cast %get3A_338 : vector<1x16xf32> to vector<16xf32>
        %add3A_340 = arith.addf %add3A_318, %get3A_339 : vector<16xf32>
        %get3A_341 = arith.index_cast %scan3A_325 : i32 to index
        %get3A_342 = arith.constant 48 : index
        %get3A_343 = tpu.vector_load %arg7[%get3A_341, %get3A_342] {strides = array<i32>} : memref<200x64xf32, #tpu.memory_space<vmem>>, vector<1x16xf32>,
        %get3A_344 = vector.shape_cast %get3A_343 : vector<1x16xf32> to vector<16xf32>
        %add3A_345 = arith.addf %add3A_323, %get3A_344 : vector<16xf32>
        %scan3A_346 = arith.constant 5 : i32
        %scan3A_347 = arith.addi %scan3A_234, %scan3A_346 : i32
        %get3A_348 = arith.index_cast %scan3A_347 : i32 to index
        %get3A_349 = arith.constant 0 : index
        %get3A_350 = tpu.vector_load %arg7[%get3A_348, %get3A_349] {strides = array<i32>} : memref<200x64xf32, #tpu.memory_space<vmem>>, vector<1x16xf32>,
        %get3A_351 = vector.shape_cast %get3A_350 : vector<1x16xf32> to vector<16xf32>
        %add3A_352 = arith.addf %add3A_330, %get3A_351 : vector<16xf32>
        %get3A_353 = arith.index_cast %scan3A_347 : i32 to index
        %get3A_354 = arith.constant 16 : index
        %get3A_355 = tpu.vector_load %arg7[%get3A_353, %get3A_354] {strides = array<i32>} : memref<200x64xf32, #tpu.memory_space<vmem>>, vector<1x16xf32>,
        %get3A_356 = vector.shape_cast %get3A_355 : vector<1x16xf32> to vector<16xf32>
        %add3A_357 = arith.addf %add3A_335, %get3A_356 : vector<16xf32>
        %get3A_358 = arith.index_cast %scan3A_347 : i32 to index
        %get3A_359 = arith.constant 32 : index
        %get3A_360 = tpu.vector_load %arg7[%get3A_358, %get3A_359] {strides = array<i32>} : memref<200x64xf32, #tpu.memory_space<vmem>>, vector<1x16xf32>,
        %get3A_361 = vector.shape_cast %get3A_360 : vector<1x16xf32> to vector<16xf32>
        %add3A_362 = arith.addf %add3A_340, %get3A_361 : vector<16xf32>
        %get3A_363 = arith.index_cast %scan3A_347 : i32 to index
        %get3A_364 = arith.constant 48 : index
        %get3A_365 = tpu.vector_load %arg7[%get3A_363, %get3A_364] {strides = array<i32>} : memref<200x64xf32, #tpu.memory_space<vmem>>, vector<1x16xf32>,
        %get3A_366 = vector.shape_cast %get3A_365 : vector<1x16xf32> to vector<16xf32>
        %add3A_367 = arith.addf %add3A_345, %get3A_366 : vector<16xf32>
        %scan3A_368 = arith.constant 6 : i32
        %scan3A_369 = arith.addi %scan3A_234, %scan3A_368 : i32
        %get3A_370 = arith.index_cast %scan3A_369 : i32 to index
        %get3A_371 = arith.constant 0 : index
        %get3A_372 = tpu.vector_load %arg7[%get3A_370, %get3A_371] {strides = array<i32>} : memref<200x64xf32, #tpu.memory_space<vmem>>, vector<1x16xf32>,
        %get3A_373 = vector.shape_cast %get3A_372 : vector<1x16xf32> to vector<16xf32>
        %add3A_374 = arith.addf %add3A_352, %get3A_373 : vector<16xf32>
        %get3A_375 = arith.index_cast %scan3A_369 : i32 to index
        %get3A_376 = arith.constant 16 : index
        %get3A_377 = tpu.vector_load %arg7[%get3A_375, %get3A_376] {strides = array<i32>} : memref<200x64xf32, #tpu.memory_space<vmem>>, vector<1x16xf32>,
        %get3A_378 = vector.shape_cast %get3A_377 : vector<1x16xf32> to vector<16xf32>
        %add3A_379 = arith.addf %add3A_357, %get3A_378 : vector<16xf32>
        %get3A_380 = arith.index_cast %scan3A_369 : i32 to index
        %get3A_381 = arith.constant 32 : index
        %get3A_382 = tpu.vector_load %arg7[%get3A_380, %get3A_381] {strides = array<i32>} : memref<200x64xf32, #tpu.memory_space<vmem>>, vector<1x16xf32>,
        %get3A_383 = vector.shape_cast %get3A_382 : vector<1x16xf32> to vector<16xf32>
        %add3A_384 = arith.addf %add3A_362, %get3A_383 : vector<16xf32>
        %get3A_385 = arith.index_cast %scan3A_369 : i32 to index
        %get3A_386 = arith.constant 48 : index
        %get3A_387 = tpu.vector_load %arg7[%get3A_385, %get3A_386] {strides = array<i32>} : memref<200x64xf32, #tpu.memory_space<vmem>>, vector<1x16xf32>,
        %get3A_388 = vector.shape_cast %get3A_387 : vector<1x16xf32> to vector<16xf32>
        %add3A_389 = arith.addf %add3A_367, %get3A_388 : vector<16xf32>
        %scan3A_390 = arith.constant 7 : i32
        %scan3A_391 = arith.addi %scan3A_234, %scan3A_390 : i32
        %get3A_392 = arith.index_cast %scan3A_391 : i32 to index
        %get3A_393 = arith.constant 0 : index
        %get3A_394 = tpu.vector_load %arg7[%get3A_392, %get3A_393] {strides = array<i32>} : memref<200x64xf32, #tpu.memory_space<vmem>>, vector<1x16xf32>,
        %get3A_395 = vector.shape_cast %get3A_394 : vector<1x16xf32> to vector<16xf32>
        %add3A_396 = arith.addf %add3A_374, %get3A_395 : vector<16xf32>
        %get3A_397 = arith.index_cast %scan3A_391 : i32 to index
        %get3A_398 = arith.constant 16 : index
        %get3A_399 = tpu.vector_load %arg7[%get3A_397, %get3A_398] {strides = array<i32>} : memref<200x64xf32, #tpu.memory_space<vmem>>, vector<1x16xf32>,
        %get3A_400 = vector.shape_cast %get3A_399 : vector<1x16xf32> to vector<16xf32>
        %add3A_401 = arith.addf %add3A_379, %get3A_400 : vector<16xf32>
        %get3A_402 = arith.index_cast %scan3A_391 : i32 to index
        %get3A_403 = arith.constant 32 : index
        %get3A_404 = tpu.vector_load %arg7[%get3A_402, %get3A_403] {strides = array<i32>} : memref<200x64xf32, #tpu.memory_space<vmem>>, vector<1x16xf32>,
        %get3A_405 = vector.shape_cast %get3A_404 : vector<1x16xf32> to vector<16xf32>
        %add3A_406 = arith.addf %add3A_384, %get3A_405 : vector<16xf32>
        %get3A_407 = arith.index_cast %scan3A_391 : i32 to index
        %get3A_408 = arith.constant 48 : index
        %get3A_409 = tpu.vector_load %arg7[%get3A_407, %get3A_408] {strides = array<i32>} : memref<200x64xf32, #tpu.memory_space<vmem>>, vector<1x16xf32>,
        %get3A_410 = vector.shape_cast %get3A_409 : vector<1x16xf32> to vector<16xf32>
        %add3A_411 = arith.addf %add3A_389, %get3A_410 : vector<16xf32>
        scf.yield %add3A_396, %add3A_401, %add3A_406, %add3A_411 : vector<16xf32>, vector<16xf32>, vector<16xf32>, vector<16xf32>
      }
      %scan3A_200 = arith.constant 200 : i32
      %mul3A_201 = arith.constant 5.000000e-03 : f32
      %mul3A_202 = vector.broadcast %mul3A_201 : f32 to vector<16xf32>
      %mul3A_203 = arith.mulf %scan3A_199#0, %mul3A_202 : vector<16xf32>
      %swap3A_204 = arith.index_cast %add3A_192 : i32 to index
      %swap3A_205 = arith.constant 0 : index
      %swap3A_206 = tpu.vector_load %arg8[%swap3A_204, %swap3A_205] {strides = array<i32>} : memref<128x64xf32, #tpu.memory_space<vmem>>, vector<1x16xf32>,
      %swap3A_207 = vector.shape_cast %swap3A_206 : vector<1x16xf32> to vector<16xf32>
      %swap3A_208 = vector.shape_cast %mul3A_203 : vector<16xf32> to vector<1x16xf32>
      tpu.vector_store %arg8[%swap3A_204, %swap3A_205], %swap3A_208 {strides = array<i32>} : memref<128x64xf32, #tpu.memory_space<vmem>>, vector<1x16xf32>,
      %mul3A_209 = arith.constant 5.000000e-03 : f32
      %mul3A_210 = vector.broadcast %mul3A_209 : f32 to vector<16xf32>
      %mul3A_211 = arith.mulf %scan3A_199#1, %mul3A_210 : vector<16xf32>
      %swap3A_212 = arith.index_cast %add3A_192 : i32 to index
      %swap3A_213 = arith.constant 16 : index
      %swap3A_214 = tpu.vector_load %arg8[%swap3A_212, %swap3A_213] {strides = array<i32>} : memref<128x64xf32, #tpu.memory_space<vmem>>, vector<1x16xf32>,
      %swap3A_215 = vector.shape_cast %swap3A_214 : vector<1x16xf32> to vector<16xf32>
      %swap3A_216 = vector.shape_cast %mul3A_211 : vector<16xf32> to vector<1x16xf32>
      tpu.vector_store %arg8[%swap3A_212, %swap3A_213], %swap3A_216 {strides = array<i32>} : memref<128x64xf32, #tpu.memory_space<vmem>>, vector<1x16xf32>,
      %mul3A_217 = arith.constant 5.000000e-03 : f32
      %mul3A_218 = vector.broadcast %mul3A_217 : f32 to vector<16xf32>
      %mul3A_219 = arith.mulf %scan3A_199#2, %mul3A_218 : vector<16xf32>
      %swap3A_220 = arith.index_cast %add3A_192 : i32 to index
      %swap3A_221 = arith.constant 32 : index
      %swap3A_222 = tpu.vector_load %arg8[%swap3A_220, %swap3A_221] {strides = array<i32>} : memref<128x64xf32, #tpu.memory_space<vmem>>, vector<1x16xf32>,
      %swap3A_223 = vector.shape_cast %swap3A_222 : vector<1x16xf32> to vector<16xf32>
      %swap3A_224 = vector.shape_cast %mul3A_219 : vector<16xf32> to vector<1x16xf32>
      tpu.vector_store %arg8[%swap3A_220, %swap3A_221], %swap3A_224 {strides = array<i32>} : memref<128x64xf32, #tpu.memory_space<vmem>>, vector<1x16xf32>,
      %mul3A_225 = arith.constant 5.000000e-03 : f32
      %mul3A_226 = vector.broadcast %mul3A_225 : f32 to vector<16xf32>
      %mul3A_227 = arith.mulf %scan3A_199#3, %mul3A_226 : vector<16xf32>
      %swap3A_228 = arith.index_cast %add3A_192 : i32 to index
      %swap3A_229 = arith.constant 48 : index
      %swap3A_230 = tpu.vector_load %arg8[%swap3A_228, %swap3A_229] {strides = array<i32>} : memref<128x64xf32, #tpu.memory_space<vmem>>, vector<1x16xf32>,
      %swap3A_231 = vector.shape_cast %swap3A_230 : vector<1x16xf32> to vector<16xf32>
      %swap3A_232 = vector.shape_cast %mul3A_227 : vector<16xf32> to vector<1x16xf32>
      tpu.vector_store %arg8[%swap3A_228, %swap3A_229], %swap3A_232 {strides = array<i32>} : memref<128x64xf32, #tpu.memory_space<vmem>>, vector<1x16xf32>,
      %scan3A_233 = arith.constant 0 : i32
      scf.yield %scan3A_233 : i32
    }
    %scan3A_47 = arith.constant 64 : i32
    "tpu.region"() ({
      %run_scoped3A = tpu.sem_alloc : memref<!tpu.dma_semaphore, #tpu.memory_space<semaphore_mem>>
      %dma_start3A_48 = arith.constant 0 : i32
      %dma_start3A_49 = tpu.memref_slice %arg4[%mul3A_2, %dma_start3A_48] : memref<4096x64xf32, #tpu.memory_space<hbm>> -> memref<128x64xf32, #tpu.memory_space<hbm>>
      %dma_start3A_50 = arith.constant 0 : i32
      %dma_start3A_51 = tpu.memref_slice %arg4[%mul3A_2, %dma_start3A_50] : memref<4096x64xf32, #tpu.memory_space<hbm>> -> memref<128x64xf32, #tpu.memory_space<hbm>>
      tpu.enqueue_dma source(%arg8 : memref<128x64xf32, #tpu.memory_space<vmem>>) target(%dma_start3A_51 : memref<128x64xf32, #tpu.memory_space<hbm>>) target_semaphore(%run_scoped3A : memref<!tpu.dma_semaphore, #tpu.memory_space<semaphore_mem>>)
      %dma_wait3A = arith.constant 0 : i32
      %dma_wait3A_52 = tpu.memref_slice %arg4[%mul3A_2, %dma_wait3A] : memref<4096x64xf32, #tpu.memory_space<hbm>> -> memref<128x64xf32, #tpu.memory_space<hbm>>
      %dma_wait3A_53 = arith.constant 0 : i32
      %dma_wait3A_54 = tpu.memref_slice %arg4[%mul3A_2, %dma_wait3A_53] : memref<4096x64xf32, #tpu.memory_space<hbm>> -> memref<128x64xf32, #tpu.memory_space<hbm>>
      tpu.wait_dma2 semaphore(%run_scoped3A : memref<!tpu.dma_semaphore, #tpu.memory_space<semaphore_mem>>) src(%arg8 : memref<128x64xf32, #tpu.memory_space<vmem>>) dst(%dma_wait3A_54 : memref<128x64xf32, #tpu.memory_space<hbm>>)
      tpu.yield
    }) : () -> ()
    return
  }
}

module attributes {stable_mosaic.version = 14 : i64} {
  func.func @_pack_body(%arg0: i32, %arg1: memref<64x16384xf32, #tpu.memory_space<vmem>>, %arg2: memref<64x16384xf32, #tpu.memory_space<vmem>>, %arg3: memref<16384x128xf32, #tpu.memory_space<vmem>>) attributes {dimension_semantics = [#tpu.dimension_semantics<arbitrary>], iteration_bounds = array<i64: 31>, scalar_prefetch = 0 : i64, scratch_operands = 0 : i64, tpu.core_type = #tpu.core_type<tc>, window_params = [{transform_indices = @transform_0, window_bounds = array<i64: 64, 16384>}, {transform_indices = @transform_1, window_bounds = array<i64: 64, 16384>}, {transform_indices = @transform_2, window_bounds = array<i64: 16384, 128>}]} {
    %get3A = arith.constant 0 : index
    %get3A_0 = arith.constant 0 : index
    %get3A_1 = vector.load %arg1[%get3A, %get3A_0] : memref<64x16384xf32, #tpu.memory_space<vmem>>, vector<64x16384xf32>
    %get3A_2 = arith.constant 0 : index
    %get3A_3 = arith.constant 0 : index
    %get3A_4 = vector.load %arg2[%get3A_2, %get3A_3] : memref<64x16384xf32, #tpu.memory_space<vmem>>, vector<64x16384xf32>
    %concatenate3A = tpu.concatenate %get3A_1, %get3A_4 in 0 : vector<64x16384xf32>, vector<64x16384xf32> -> vector<128x16384xf32>
    %transpose3A = tpu.transpose %concatenate3A, [1, 0] : vector<128x16384xf32> -> vector<16384x128xf32>
    %swap3A = arith.constant 0 : index
    %swap3A_5 = arith.constant 0 : index
    %swap3A_6 = vector.load %arg3[%swap3A, %swap3A_5] : memref<16384x128xf32, #tpu.memory_space<vmem>>, vector<16384x128xf32>
    tpu.vector_store %arg3[%swap3A, %swap3A_5], %transpose3A {strides = array<i32>} : memref<16384x128xf32, #tpu.memory_space<vmem>>, vector<16384x128xf32>,
    return
  }
  func.func @transform_0(%arg0: i32) -> (i32, i32) {
    %mul3A = arith.constant 2 : i32
    %mul3A_0 = arith.muli %mul3A, %arg0 : i32
    %c0_i32 = arith.constant 0 : i32
    %c0_i32_1 = arith.constant 0 : i32
    return %c0_i32, %mul3A_0 : i32, i32
  }
  func.func @transform_1(%arg0: i32) -> (i32, i32) {
    %mul3A = arith.constant 2 : i32
    %mul3A_0 = arith.muli %mul3A, %arg0 : i32
    %add3A = arith.constant 1 : i32
    %add3A_1 = arith.addi %mul3A_0, %add3A : i32
    %min3A = arith.constant 61 : i32
    %min3A_2 = arith.minsi %add3A_1, %min3A : i32
    %c0_i32 = arith.constant 0 : i32
    %c0_i32_3 = arith.constant 0 : i32
    return %c0_i32, %min3A_2 : i32, i32
  }
  func.func @transform_2(%arg0: i32) -> (i32, i32) {
    %c0_i32 = arith.constant 0 : i32
    %c0_i32_0 = arith.constant 0 : i32
    return %arg0, %c0_i32 : i32, i32
  }
}

</mosaic_0001>

<sc_bundles>
// kernel: _swem.4.cloned.1.call-start
scs
__scs_entry_jumppad:
0x0: {  	(pc) =	sbr.rel $0x88, $3  }
0x1: {  	(tag) =	ssettag $0x0;
	lr =	simm.s32 $0x1  }
0x2: {  	[smem:$0x3F9F] =	sst lr;
	_ =	strace $0xD0000000  }
0x3: {  	_ = 	snop  }
0x4: {  	_ = 	snop  }
0x5: {  	_ = 	snop  }
0x6: {  	_ = 	snop  }
0x7: {  	_ = 	snop  }
__scs_overlays_trampoline_lowered:
0x8: {  	[smem:$0x3FAE] =	sst s0  }
0x9: {  	[smem:$0x3FAF] =	sst s1  }
0xa: {  	[smem:$0x3FB0] =	sst s2  }
0xb: {  	[smem:$0x3FB1] =	sst s3  }
0xc: {  	[smem:$0x3FB2] =	sst s4  }
0xd: {  	[smem:$0x3FB3] =	sst s5  }
0xe: {  	[smem:$0x3FB4] =	sst s6  }
0xf: {  	[smem:$0x3FB5] =	sst s7  }
0x10: {  	[smem:$0x3FB6] =	sst s8  }
0x11: {  	[smem:$0x3FB7] =	sst s9;
	s0 =	simm.s32 @!p0 $0x0  }
0x12: {  	s1 =	sld [smem:$0x3F9D];
	s0 =	simm.s32 @p0 $0x1  }
0x13: {  	[smem:$0x3FB8] =	sst s0;
	s0 =	simm.s32 @!p1 $0x0  }
0x14: {  	s2 =	sld [smem:$0x3F9C];
	s0 =	simm.s32 @p1 $0x1  }
0x15: {  	[smem:$0x3FB9] =	sst s0;
	s0 =	simm.s32 @!p2 $0x0  }
0x16: {  	s3 =	sld [smem:$0x3FDB];
	s0 =	simm.s32 @p2 $0x1  }
0x17: {  	s4 =	simm.s32 $0x1BF5;
	[smem:$0x3FBB] =	sst s0  }
0x18: {  	s0 =	sld [smem:$0x3F9E];
	_ =	swait.ge [sflag:s4], $0x0  }
0x19: {  	s7 =	sld [smem:$0x3F9F]  }
0x1a: {  	s8 =	sadd.s32 $0xFFFFE003, lr  }
0x1b: {  	s9 =	sadd.s32 $0xFFFFFEF7, lr;
	s5 =	simm.s32 $0xFFFFFFFF;
	p2 =	slt.u32 s8, $0xFFFFF086  }
0x1c: {  	p1 =	slt.u32 s9, $0xF7A;
	s5 =	simm.s32 @!p2 $0x0  }
0x1d: {  	s5 =	simm.s32 @p1 $0x1;
	p0 =	seq.s32 s7, s2  }
0x1e: {  	s7 =	smul.u32 @!p0 $0xF7A, s2;
	p2 =	seq.s32 @!p0 s5, $0x0  }
0x1f: {  	s9 =	smul.u32 $0xF7A, s1;
	s8 =	simm.s32 @!p0 $0x1BF5;
	p2 =	por !p2, p0  }
0x20: {  	[sflag:s8] =	ssyncset.s32 @!p0 $0xFFFFF086;
	s6 =	sadd.s32 @!p0 s3, s7;
	s7 =	simm.s32 @!p0 $0x108  }
0x21: {  	s3 =	sadd.s32 s3, s9;
	s6 =	sadd.s32 @!p0 $0x88, s6;
	s7 =	simm.s32 @p2 $0x1082  }
0x22: {  	[simem:s7], [sflag:s8] =	dma.local @!p0 [hbm:s6], $0xF7A  }
0x23: {  	s9 =	sor.u32 $0xD0000000, s2;
	s6 =	simm.s32 $0x108;
	_ =	swait.ge @!p0 [sflag:s8], $0x0  }
0x24: {  	s3 =	sadd.s32 $0x88, s3;
	s6 =	simm.s32 @!p1 $0x1082;
	[sflag:s4] =	ssyncset.s32 $0xFFFFF086  }
0x25: {  	[simem:s6], [sflag:s4] =	dma.local [hbm:s3], $0xF7A  }
0x26: {  	[smem:$0x3F9F] =	sst s1;
	(tag) =	ssettag s2;
	_ =	strace s9  }
0x27: {  	s1 =	sld [smem:$0x3FAF]  }
0x28: {  	s2 =	sld [smem:$0x3FB0]  }
0x29: {  	s4 =	sld [smem:$0x3FB2]  }
0x2a: {  	p0 =	seq.s32 s5, $0x0;
	s5 =	sld [smem:$0x3FB3]  }
0x2b: {  	s6 =	sld [smem:$0x3FB4]  }
0x2c: {  	s7 =	sld [smem:$0x3FB5]  }
0x2d: {  	s3 =	simm.s32 $0x108;
	s8 =	sld [smem:$0x3FB6]  }
0x2e: {  	s3 =	simm.s32 @!p0 $0x1082;
	s9 =	sld [smem:$0x3FB7]  }
0x2f: {  	lr =	sadd.s32 s0, s3;
	s0 =	sld [smem:$0x3FAE]  }
0x30: {  	s3 =	sld [smem:$0x3FB1]  }
0x31: {  	[smem:$0x3FBA] =	sst s10  }
0x32: {  	s10 =	sld [smem:$0x3FB8];
	_ =	sdelay $0x3  }
0x33: {  	p0 =	seq.s32 s10, $0x1;
	s10 =	sld [smem:$0x3FBA];
	_ =	sdelay $0x3  }
0x34: {  	[smem:$0x3FBA] =	sst s10  }
0x35: {  	s10 =	sld [smem:$0x3FB9];
	_ =	sdelay $0x3  }
0x36: {  	p1 =	seq.s32 s10, $0x1;
	s10 =	sld [smem:$0x3FBA];
	_ =	sdelay $0x3  }
0x37: {  	[smem:$0x3FBA] =	sst s10  }
0x38: {  	s10 =	sld [smem:$0x3FBB]  }
0x39: {  	_ = 	snop;
	(pc) =	sbr.ind lr, $3  }
0x3a: {  	_ = 	snop  }
0x3b: {  	_ = 	snop  }
0x3c: {  	p2 =	seq.s32 s10, $0x1;
	s10 =	sld [smem:$0x3FBA]  }
0x3d: {  	_ =	shalt  }
0x3e: {  	_ =	shalt  }
0x3f: {  	_ =	shalt  }
0x40: {  	_ =	shalt  }
0x41: {  	_ =	shalt  }
0x42: {  	_ =	shalt  }
0x43: {  	_ =	shalt  }
0x44: {  	_ =	shalt  }
0x45: {  	_ =	shalt  }
0x46: {  	_ =	shalt  }
0x47: {  	_ =	shalt  }
0x48: {  	_ =	shalt  }
0x49: {  	_ =	shalt  }
0x4a: {  	_ =	shalt  }
0x4b: {  	_ =	shalt  }
0x4c: {  	_ =	shalt  }
0x4d: {  	_ =	shalt  }
0x4e: {  	_ =	shalt  }
0x4f: {  	_ =	shalt  }
0x50: {  	_ =	shalt  }
0x51: {  	_ =	shalt  }
0x52: {  	_ =	shalt  }
0x53: {  	_ =	shalt  }
0x54: {  	_ =	shalt  }
0x55: {  	_ =	shalt  }
0x56: {  	_ =	shalt  }
0x57: {  	_ =	shalt  }
0x58: {  	_ =	shalt  }
0x59: {  	_ =	shalt  }
0x5a: {  	_ =	shalt  }
0x5b: {  	_ =	shalt  }
0x5c: {  	_ =	shalt  }
0x5d: {  	_ =	shalt  }
0x5e: {  	_ =	shalt  }
0x5f: {  	_ =	shalt  }
0x60: {  	_ =	shalt  }
0x61: {  	_ =	shalt  }
0x62: {  	_ =	shalt  }
0x63: {  	_ =	shalt  }
0x64: {  	_ =	shalt  }
0x65: {  	_ =	shalt  }
0x66: {  	_ =	shalt  }
0x67: {  	_ =	shalt  }
0x68: {  	_ =	shalt  }
0x69: {  	_ =	shalt  }
0x6a: {  	_ =	shalt  }
0x6b: {  	_ =	shalt  }
0x6c: {  	_ =	shalt  }
0x6d: {  	_ =	shalt  }
0x6e: {  	_ =	shalt  }
0x6f: {  	_ =	shalt  }
0x70: {  	_ =	shalt  }
0x71: {  	_ =	shalt  }
0x72: {  	_ =	shalt  }
0x73: {  	_ =	shalt  }
0x74: {  	_ =	shalt  }
0x75: {  	_ =	shalt  }
0x76: {  	_ =	shalt  }
0x77: {  	_ =	shalt  }
0x78: {  	_ =	shalt  }
0x79: {  	_ =	shalt  }
0x7a: {  	_ =	shalt  }
0x7b: {  	_ =	shalt  }
0x7c: {  	_ =	shalt  }
0x7d: {  	_ =	shalt  }
0x7e: {  	_ =	shalt  }
0x7f: {  	_ =	shalt  }
0x80: {  	_ =	shalt  }
0x81: {  	_ =	shalt  }
0x82: {  	_ =	shalt  }
0x83: {  	_ =	shalt  }
0x84: {  	_ =	shalt  }
0x85: {  	_ =	shalt  }
0x86: {  	_ =	shalt  }
0x87: {  	_ =	shalt  }
.Lfunc_end0:
.L_simem_size_0:
called_computation_lowered:
.L_overlay_start_0:
0x88: {  	s2 =	sld [smem:$0x3FD9]  }
0x89: {  	s3 =	sld [smem:$0x3FFE];
	_ =	sdelay $0x1  }
0x8a: {  	s1 =	srdreg.scid  }
0x8b: {  	s0 =	sand.u32 $0x1, s1  }
0x8c: {  	s17 =	sshll.u32 s0, $0xA;
	s2 =	sadd.s32 s3, s2  }
0x8d: {  	s2 =	sadd.s32 s2, s17  }
0x8e: {  	[smem:$0x3FC6] =	sst s2  }
0x8f: {  	_ = 	snop  }
0x90: {  	s2 =	sld [smem:$0x3FD0];
	(tm) =	ssettm $0x1  }
0x91: {  	s18 =	sld [smem:$0x3FFB];
	_ =	sdelay $0x3  }
0x92: {  	_ =	strace s18  }
0x93: {  	s3 =	sld [smem:$0x3FFC];
	_ =	sdelay $0x3  }
0x94: {  	_ =	strace s3  }
0x95: {  	s3 =	sld [smem:$0x3FFD];
	_ =	sdelay $0x3  }
0x96: {  	_ =	strace s3  }
0x97: {  	_ =	strace $0x8FFFFFFF  }
0x98: {  	s19 =	sld [smem:$0x3FDB];
	_ =	sdelay $0x1  }
0x99: {  	s4 =	simm.s32 $_scs_section_size  }
0x9a: {  	s5 =	simm.s32 $_size__tile_overlayer_lowered;
	s6 =	simm.s32 $_tile_overlayer_lowered  }
0x9b: {  	s22 =	simm.s32 $0x1BFF;
	s21 =	sshll.u32 s6, $0x1;
	s3 =	sadd.s32 s4, s19  }
0x9c: {  	s7 =	simm.s32 $0x0;
	s20 =	sshll.u32 s5, $0x1;
	s5 =	sadd.s32 s21, s3  }
0x9d: {  	[timem:s7], [sflag:s22] =	dma.local [hbm:s5], s20  }
0x9e: {  	_ =	swait.ge [sflag:s22], s20  }
0x9f: {  	s4 =	ssub.s32 $0x0, s20;
	[sflag:s22] =	ssyncset.done $0x0  }
0xa0: {  	[sflag:s22] =	ssyncadd.s32 s4;
	_ =	sdelay $0x1  }
0xa1: {  	s23 =	simm.s32 $0x1B8B  }
0xa2: {  	_ =	swait.ge [sflag:s23], $0x1  }
0xa3: {  	[sflag:s23] =	ssyncset.done $0x0  }
0xa4: {  	s25 =	simm.s32 $0x1B8E;
	s24 =	sld [smem:$0x3FFE];
	[sflag:s23] =	ssyncadd.s32 $0xFFFFFFFF  }
0xa5: {  	s26 =	simm.s32 $execute0_lowered;
	[smem:$0x3FD2] =	sst s25  }
0xa6: {  	s5 =	sshll.u32 s26, $0x1;
	_ =	strace $0x80000046;
	[dreg:$0x1] =	wrdreg $0xFFFFFFFF  }
0xa7: {  	s28 =	simm.s32 $_size_execute0_lowered;
	s3 =	sadd.s32 s3, s5;
	[dreg:$0x0] =	wrdreg $0x0  }
0xa8: {  	s5 =	sshll.u32 s28, $0x1;
	[dreg:$0x2] =	wrdreg s3  }
0xa9: {  	[dreg:$0x3] =	wrdreg s5  }
0xaa: {  	[dreg:$0x4] =	wrdreg $0xC0  }
0xab: {  	_ =	task [dreg:s7], $0x5FFFF  }
0xac: {  	[dreg:$0x1] =	wrdreg $0xFFFFFFFF  }
0xad: {  	[dreg:$0x0] =	wrdreg $0x60  }
0xae: {  	[dreg:$0x2] =	wrdreg s24  }
0xaf: {  	[dreg:$0x3] =	wrdreg s2  }
0xb0: {  	[dreg:$0x4] =	wrdreg $0x9  }
0xb1: {  	_ =	task.clear_ibuf [dreg:s7], $0x5FFFF;
	_ =	strace $0x90000046  }
0xb2: {  	s29 =	simm.s32 $0x9;
	_ =	strace $0x80000048  }
0xb3: {  	_ =	swait.ge [sflag:s29], $0x1  }
0xb4: {  	[sflag:s29] =	ssyncadd.s32 $0xFFFFFFFF  }
0xb5: {  	_ =	strace $0x90000048  }
0xb6: {  	_ =	sfence  }
0xb7: {  	s30 =	sld [smem:$0x0];
	_ =	sdelay $0x2  }
0xb8: {  	s31 =	sshll.u32 s1, $0xD;
	s1 =	sshrl.u32 s1, $0x2  }
0xb9: {  	s3 =	sand.u32 $0x4000, s31;
	s1 =	sadd.s32 s1, s30  }
0xba: {  	s0 =	sor.u32 s3, s0;
	s1 =	sshll.u32 s1, $0x11  }
0xbb: {  	s0 =	sor.u32 s1, s0  }
0xbc: {  	s0 =	sadd.s32 $0x8F2B, s0  }
0xbd: {  	[sflag:s0] =	ssyncadd.remote.s32 $0x1  }
0xbe: {  	_ =	sfence.sel $0xFFFF  }
0xbf: {  	[dreg:$0x0] =	wrdreg $0xFFFFFFFF;
	(pc) =	sbr.abs _section_cstart, $3  }
0xc0: {  	[dreg:$0x1] =	wrdreg $0xFFFFFFFF  }
0xc1: {  	_ =	task.clear_ibuf [dreg:s7], $0x2FFFF;
	_ =	strace $0x9FFFFFFF  }
0xc2: {  	(tm) =	ssettm $0x7FFFFFFF  }
0xc3: {  	_ =	shalt  }
tec
execute0_lowered:
.L_overlay_start_1:
0x0: {  	(tag) =	ssettag $0x1  }
0x1: {  	s1 =	srdreg.scid  }
0x2: {  	s0 =	stileid.u32;
	s4 =	rddreg [dreg:$0x0]  }
0x3: {  	s5 =	rddreg [dreg:$0x1];
	s9 =	simm.s32 $0x9000;
	s10 =	simm.s32 $0xA800  }
0x4: {  	s11 =	simm.s32 $0x8;
	s12 =	simm.s32 $0xC0;
	s13 =	simm.s32 $0xC000  }
0x5: {  	s14 =	simm.s32 $0xC200;
	s15 =	simm.s32 $0xDA00;
	s16 =	simm.s32 $0xF200  }
0x6: {  	s17 =	simm.s32 $0x1;
	s18 =	simm.s32 $0x2;
	s19 =	simm.s32 $0xF400  }
0x7: {  	s20 =	simm.s32 $0x0;
	s3 =	sand.u32 $0x1, s1;
	s30 =	sshll.u32 s0, $0x8  }
0x8: {  	s1 =	rddreg [dreg:$0x2];
	s2 =	sshll.u32 s3, $0x7;
	s8 =	ssub.s32 $0x2, s3  }
0x9: {  	s3 =	sadd.s32 $0x24400, s4;
	s6 =	sor.u32 s2, s30;
	s2 =	simm.s32 $0x0  }
0xa: {  	s31 =	sshrl.u32 s8, $0x1;
	s7 =	smul.u32 $0x24, s6;
	[smem:$0x7FF] =	sst s2  }
0xb: {  	s6 =	sshll.u32 s6, $0x3;
	s8 =	ssub.s32 s8, s31;
	_ =	strace $0x80000047  }
0xc: {  	s5 =	sadd.s32 s5, s6;
	s6 =	smax.u32 s8, $0x1;
	s7 =	sadd.s32 s7, s4  }
0xd: {  	v0 =	vimm.s32 $0x0;
	s8 =	simm.s32 $0x60;
	s4 =	sadd.s32 $0x400, s7;
	s7 =	simm.s32 $0x3  }
.LBB2_1:
0xe: {  	[tilespmem:s2], [sflag:$0x3] =	stream.linear.gather [hbm4b:s4+s2], $0x9000, $0x38;
	[tilespmem:$0x11400] =	vst v63  }
0xf: {  	_ =	swait.ge [sflag:s7], $0x9000  }
0x10: {  	[sflag:s7] =	ssyncset.done $0x0  }
0x11: {  	s21 =	simm.s32 $0x0;
	[sflag:s7] =	ssyncadd.s32 $0xFFFF7000  }
0x12: {  	v1 =	vld [tilespmem:s21+$0x110]  }
0x13: {  	v2 =	vld [tilespmem:s21+$0x100]  }
0x14: {  	v8 =	vld [tilespmem:s21+$0xB0]  }
0x15: {  	v5 =	vld [tilespmem:s21+$0xF0]  }
0x16: {  	v6 =	vld [tilespmem:s21+$0x60]  }
0x17: {  	v10 =	vld [tilespmem:s21+$0x70]  }
0x18: {  	v11 =	vld [tilespmem:s21+$0x30]  }
0x19: {  	v12 =	vld [tilespmem:s21+$0xA0]  }
0x1a: {  	v15 =	vld [tilespmem:s21+$0x20]  }
0x1b: {  	v18 =	vld [tilespmem:s21+$0x80]  }
0x1c: {  	v23 =	vld [tilespmem:s21+$0x0]  }
0x1d: {  	v25 =	vld [tilespmem:s21+$0x10]  }
0x1e: {  	v7 =	vand.u32 $0x7FFF, v2  }
0x1f: {  	v4 =	vld [tilespmem:s21+$0xC0];
	v9 =	vand.u32 $0x7FFF, v1;
	v14 =	vand.u32 $0x7FFF, v8;
	v16 =	vand.u32 $0x7FFF, v5  }
0x20: {  	v17 =	vand.u32 $0x7FFF, v6;
	v19 =	vand.u32 $0x7FFF, v10;
	v21 =	vand.u32 $0x7FFF, v11  }
0x21: {  	v22 =	vand.u32 $0x7FFF, v12;
	v24 =	vand.u32 $0x7FFF, v15;
	v61 =	vand.u32 $0x7FFF, v18  }
0x22: {  	v62 =	vand.u32 $0x7FFF, v23;
	v63 =	vand.u32 $0x7FFF, v25;
	vm0 =	vgt.u32 v7, $0x3FFF  }
0x23: {  	v3 =	vld [tilespmem:s21+$0xE0];
	vm1 =	vgt.u32 v9, $0x3FFF;
	v9 =	vadd.s32 v1, v9;
	v2 =	vadd.s32 v2, v7  }
0x24: {  	v7 =	vand.u32 $0x7FFF, v4;
	vm2 =	vgt.u32 v17, $0x3FFF;
	vm4 =	vgt.u32 v16, $0x3FFF  }
0x25: {  	v17 =	vadd.s32 v6, v17;
	vm3 =	vgt.u32 v19, $0x3FFF;
	vm14 =	vgt.u32 v61, $0x3FFF  }
0x26: {  	vm15 =	vgt.u32 v62, $0x3FFF;
	vm5 =	vgt.u32 v63, $0x3FFF;
	v1 =	vsel vm0, $0xFFFF8001, v0  }
0x27: {  	v13 =	vsel vm1, $0xFFFF8001, v0;
	vm0 =	vgt.u32 v7, $0x3FFF;
	v6 =	vadd.s32 v4, v7  }
0x28: {  	v7 =	vadd.s32 v5, v16;
	v1 =	vadd.s32 v1, v2;
	v2 =	vand.u32 $0x7FFF, v3  }
0x29: {  	v20 =	vsel vm0, $0xFFFF8001, v0;
	vm0 =	vgt.u32 v21, $0x3FFF;
	v13 =	vadd.s32 v13, v9  }
0x2a: {  	vm1 =	vgt.u32 v2, $0x3FFF;
	[tilespmem:s21+$0x100] =	vst v1;
	v1 =	vld [tilespmem:s21+$0x50];
	v2 =	vadd.s32 v3, v2;
	v20 =	vadd.s32 v20, v6  }
0x2b: {  	v3 =	vld [tilespmem:s21+$0xD0];
	v6 =	vadd.s32 v15, v24;
	v15 =	vsel vm14, $0xFFFF8001, v0;
	v4 =	vsel vm1, $0xFFFF8001, v0  }
0x2c: {  	[tilespmem:s21+$0x110] =	vst v13;
	v13 =	vadd.s32 v23, v62;
	vm1 =	vgt.u32 v22, $0x3FFF;
	v2 =	vadd.s32 v4, v2  }
0x2d: {  	v4 =	vsel vm1, $0xFFFF8001, v0;
	vm1 =	vgt.u32 v14, $0x3FFF;
	[tilespmem:s21+$0xE0] =	vst v2;
	v2 =	vsel vm4, $0xFFFF8001, v0  }
0x2e: {  	v16 =	vadd.s32 v2, v7;
	v2 =	vadd.s32 v11, v21;
	v11 =	vsel vm1, $0xFFFF8001, v0  }
0x2f: {  	v9 =	vld [tilespmem:s21+$0x40];
	vm1 =	vgt.u32 v24, $0x3FFF;
	v5 =	vand.u32 $0x7FFF, v1;
	[tilespmem:s21+$0xF0] =	vst v16;
	v16 =	vadd.s32 v18, v61  }
0x30: {  	v7 =	vand.u32 $0x7FFF, v3;
	v18 =	vadd.s32 v15, v16;
	v15 =	vadd.s32 v8, v14;
	v8 =	vld [tilespmem:s21+$0x90]  }
0x31: {  	[tilespmem:s21+$0xC0] =	vst v20;
	v16 =	vadd.s32 v10, v19;
	v10 =	vsel vm15, $0xFFFF8001, v0;
	v14 =	vadd.s32 v12, v22  }
0x32: {  	[tilespmem:s21+$0x80] =	vst v18;
	v12 =	vadd.s32 v10, v13;
	v10 =	vadd.s32 v25, v63;
	v13 =	vsel vm2, $0xFFFF8001, v0  }
0x33: {  	s22 =	simm.s32 $0x480;
	[tilespmem:s21+$0x0] =	vst v12;
	v12 =	vsel vm5, $0xFFFF8001, v0;
	v13 =	vadd.s32 v13, v17;
	v17 =	vsel vm3, $0xFFFF8001, v0  }
.LBB2_2:
0x34: {  	s23 =	sshra.s32 s22, $0x2;
	p0 =	sne.s32 s22, $0x23B80;
	s22 =	sadd.s32 $0x480, s22;
	v16 =	vadd.s32 v17, v16;
	v11 =	vadd.s32 v11, v15;
	v3 =	vadd.s32 v3, v7  }
0x35: {  	v17 =	vand.u32 $0x7FFF, v9;
	vm2 =	vgt.u32 v7, $0x3FFF;
	v15 =	vld [tilespmem:s23+$0x110];
	v18 =	vand.u32 $0x7FFF, v8  }
0x36: {  	vm4 =	vgt.u32 v5, $0x3FFF;
	vm3 =	vgt.u32 v17, $0x3FFF;
	v9 =	vadd.s32 v9, v17;
	v7 =	vld [tilespmem:s23+$0xE0]  }
0x37: {  	v1 =	vadd.s32 v1, v5;
	v20 =	vsel vm4, $0xFFFF8001, v0;
	v19 =	vsel vm3, $0xFFFF8001, v0;
	v17 =	vld [tilespmem:s23+$0x100];
	[tilespmem:s21+$0xB0] =	vst v11  }
0x38: {  	v4 =	vadd.s32 v4, v14;
	v1 =	vadd.s32 v20, v1;
	v9 =	vadd.s32 v19, v9;
	v5 =	vld [tilespmem:s23+$0xC0];
	[tilespmem:s21+$0x70] =	vst v16  }
0x39: {  	v14 =	vsel vm1, $0xFFFF8001, v0;
	v16 =	vsel vm0, $0xFFFF8001, v0;
	v11 =	vld [tilespmem:s23+$0xF0];
	[tilespmem:s21+$0xA0] =	vst v4;
	v4 =	vsel vm2, $0xFFFF8001, v0  }
0x3a: {  	v10 =	vadd.s32 v12, v10;
	v6 =	vadd.s32 v14, v6;
	v2 =	vadd.s32 v16, v2;
	v19 =	vld [tilespmem:s23+$0xB0];
	[tilespmem:s21+$0x60] =	vst v13  }
0x3b: {  	vm0 =	vgt.u32 v18, $0x3FFF;
	v3 =	vadd.s32 v4, v3;
	v12 =	vld [tilespmem:s23+$0x70];
	[tilespmem:s21+$0x20] =	vst v6;
	v6 =	vadd.s32 v8, v18  }
0x3c: {  	v13 =	vand.u32 $0x7FFF, v15;
	v4 =	vld [tilespmem:s23+$0x60];
	v8 =	vand.u32 $0x7FFF, v17;
	[tilespmem:s21+$0x30] =	vst v2;
	v2 =	vsel vm0, $0xFFFF8001, v0  }
0x3d: {  	vm1 =	vgt.u32 v13, $0x3FFF;
	v13 =	vadd.s32 v15, v13;
	v14 =	vld [tilespmem:s23+$0xA0];
	vm0 =	vgt.u32 v8, $0x3FFF;
	[tilespmem:s21+$0x50] =	vst v1  }
0x3e: {  	v16 =	vsel vm1, $0xFFFF8001, v0;
	v8 =	vadd.s32 v17, v8;
	v15 =	vld [tilespmem:s23+$0x30];
	v1 =	vsel vm0, $0xFFFF8001, v0;
	[tilespmem:s21+$0x10] =	vst v10  }
0x3f: {  	v18 =	vand.u32 $0x7FFF, v5;
	v10 =	vld [tilespmem:s23+$0x20];
	v17 =	vand.u32 $0x7FFF, v19;
	v1 =	vadd.s32 v1, v8;
	[tilespmem:s21+$0x40] =	vst v9  }
0x40: {  	v2 =	vadd.s32 v2, v6;
	v8 =	vand.u32 $0x7FFF, v7;
	v9 =	vand.u32 $0x7FFF, v11;
	[tilespmem:s21+$0xD0] =	vst v3  }
0x41: {  	vm0 =	vgt.u32 v18, $0x3FFF;
	vm1 =	vgt.u32 v8, $0x3FFF;
	v3 =	vand.u32 $0x7FFF, v4;
	[tilespmem:s21+$0x90] =	vst v2;
	s21 =	smov.u32 s23  }
0x42: {  	v6 =	vsel vm0, $0xFFFF8001, v0;
	v20 =	vand.u32 $0x7FFF, v12;
	vm2 =	vgt.u32 v3, $0x3FFF;
	v21 =	vld [tilespmem:s21+$0x80];
	[tilespmem:s21+$0x100] =	vst v1  }
0x43: {  	v7 =	vadd.s32 v7, v8;
	vm4 =	vgt.u32 v9, $0x3FFF;
	v2 =	vand.u32 $0x7FFF, v15;
	v1 =	vld [tilespmem:s21+$0x50]  }
0x44: {  	v8 =	vadd.s32 v5, v18;
	v22 =	vadd.s32 v4, v3;
	v4 =	vsel vm1, $0xFFFF8001, v0;
	v3 =	vld [tilespmem:s21+$0xD0]  }
0x45: {  	vm3 =	vgt.u32 v20, $0x3FFF;
	v18 =	vand.u32 $0x7FFF, v14;
	v4 =	vadd.s32 v4, v7  }
0x46: {  	vm1 =	vgt.u32 v18, $0x3FFF;
	v7 =	vsel vm4, $0xFFFF8001, v0;
	vm0 =	vgt.u32 v2, $0x3FFF;
	[tilespmem:s21+$0xE0] =	vst v4  }
0x47: {  	v9 =	vadd.s32 v11, v9;
	v24 =	vand.u32 $0x7FFF, v10;
	v4 =	vsel vm1, $0xFFFF8001, v0;
	v23 =	vld [tilespmem:s21+$0x0]  }
0x48: {  	v9 =	vadd.s32 v7, v9;
	vm1 =	vgt.u32 v17, $0x3FFF;
	v25 =	vld [tilespmem:s21+$0x10];
	v5 =	vand.u32 $0x7FFF, v1  }
0x49: {  	v2 =	vadd.s32 v15, v2;
	v15 =	vand.u32 $0x7FFF, v21;
	v7 =	vand.u32 $0x7FFF, v3  }
0x4a: {  	v8 =	vadd.s32 v6, v8;
	v11 =	vsel vm1, $0xFFFF8001, v0;
	vm4 =	vgt.u32 v15, $0x3FFF;
	[tilespmem:s21+$0xF0] =	vst v9  }
0x4b: {  	v6 =	vadd.s32 v10, v24;
	v10 =	vadd.s32 v21, v15;
	v9 =	vsel vm4, $0xFFFF8001, v0;
	[tilespmem:s21+$0xC0] =	vst v8  }
0x4c: {  	vm1 =	vgt.u32 v24, $0x3FFF;
	v8 =	vadd.s32 v9, v10;
	v10 =	vadd.s32 v16, v13  }
.Ltmp0:
0x4d: {  	v15 =	vadd.s32 v19, v17;
	v13 =	vand.u32 $0x7FFF, v23;
	v21 =	vand.u32 $0x7FFF, v25;
	v9 =	vld [tilespmem:s21+$0x40];
	[tilespmem:s21+$0x110] =	vst v10;
	(pc) =	sbr.rel @p0 .LBB2_2-.Ltmp0, $4  }
0x4e: {  	v16 =	vadd.s32 v12, v20;
	vm4 =	vgt.u32 v13, $0x3FFF;
	vm5 =	vgt.u32 v21, $0x3FFF;
	[tilespmem:s21+$0x80] =	vst v8;
	v8 =	vld [tilespmem:s21+$0x90]  }
0x4f: {  	v14 =	vadd.s32 v14, v18;
	v12 =	vadd.s32 v23, v13;
	v10 =	vsel vm4, $0xFFFF8001, v0  }
0x50: {  	v13 =	vsel vm2, $0xFFFF8001, v0;
	v12 =	vadd.s32 v10, v12;
	v10 =	vadd.s32 v25, v21  }
0x51: {  	v17 =	vsel vm3, $0xFFFF8001, v0;
	v13 =	vadd.s32 v13, v22;
	[tilespmem:s21+$0x0] =	vst v12;
	v12 =	vsel vm5, $0xFFFF8001, v0  }
0x52: {  	v11 =	vadd.s32 v11, v15;
	[tilespmem:s21+$0x60] =	vst v13  }
0x53: {  	v55 =	vadd.s32 v17, v16;
	v3 =	vadd.s32 v3, v7;
	v4 =	vadd.s32 v4, v14;
	[tilespmem:s21+$0xB0] =	vst v11  }
0x54: {  	v56 =	vand.u32 $0x7FFF, v9;
	v58 =	vsel vm1, $0xFFFF8001, v0;
	vm12 =	vgt.u32 v5, $0x3FFF;
	[tilespmem:s21+$0x70] =	vst v55  }
0x55: {  	v59 =	vsel vm0, $0xFFFF8001, v0;
	v1 =	vadd.s32 v1, v5;
	v62 =	vadd.s32 v12, v10;
	[tilespmem:s21+$0xA0] =	vst v4  }
0x56: {  	vm13 =	vgt.u32 v7, $0x3FFF;
	v57 =	vand.u32 $0x7FFF, v8;
	v6 =	vadd.s32 v58, v6;
	[tilespmem:s21+$0x10] =	vst v62  }
0x57: {  	v60 =	vsel vm12, $0xFFFF8001, v0;
	v2 =	vadd.s32 v59, v2;
	vm14 =	vgt.u32 v56, $0x3FFF;
	[tilespmem:s21+$0x20] =	vst v6  }
0x58: {  	v1 =	vadd.s32 v60, v1;
	[tilespmem:s21+$0x30] =	vst v2;
	v2 =	vadd.s32 v9, v56;
	v61 =	vsel vm14, $0xFFFF8001, v0  }
0x59: {  	vm15 =	vgt.u32 v57, $0x3FFF;
	[tilespmem:s21+$0x50] =	vst v1;
	v1 =	vadd.s32 v61, v2;
	v2 =	vsel vm13, $0xFFFF8001, v0  }
0x5a: {  	v63 =	vadd.s32 v8, v57;
	v2 =	vadd.s32 v2, v3;
	v3 =	vsel vm15, $0xFFFF8001, v0;
	[tilespmem:s21+$0x40] =	vst v1  }
0x5b: {  	v1 =	vadd.s32 v3, v63;
	[tilespmem:s21+$0xD0] =	vst v2  }
0x5c: {  	[tilespmem:s21+$0x90] =	vst v1;
	s21 =	simm.s32 $0x0  }
0x5d: {  	[tilespmem:s9], [sflag:$0x1] =	stream.indirect.gather [hbm4b:s3+s8], $0x40, s21, s8, $0xb8;
	[tilespmem:$0x11400] =	vst v63  }
0x5e: {  	_ = 	snop  }
0x5f: {  	[tilespmem:s10], [sflag:$0x1] =	stream.indirect.gather [hbm4b:s3+s8], $0x40, s8, s8, $0xb8;
	[tilespmem:$0x11400] =	vst v63  }
0x60: {  	_ = 	snop  }
0x61: {  	[tilespmem:s13], [sflag:$0x1] =	stream.indirect.gather [hbm4b:s3+s11], $0x40, s12, s11, $0xb8;
	[tilespmem:$0x11400] =	vst v63  }
.LBB2_4:
0x62: {  	s22 =	sshllo.u32 s21, $0x1  }
0x63: {  	s23 =	smul.u32 $0x480, s22;
	_ =	sdelay $0x1  }
0x64: {  	s23 =	sshra.s32 s23, $0x2  }
0x65: {  	[tilespmem:s14], [sflag:$0x2] =	stream.indirect.gather [hbm4b:s3+s8], $0x40, s23, s8, $0xb8;
	[tilespmem:$0x11400] =	vst v63  }
0x66: {  	s24 =	sadd.s32 $0x60, s23  }
0x67: {  	[tilespmem:s15], [sflag:$0x2] =	stream.indirect.gather [hbm4b:s3+s8], $0x40, s24, s8, $0xb8;
	[tilespmem:$0x11400] =	vst v63  }
0x68: {  	s23 =	sadd.s32 $0xC0, s23  }
0x69: {  	[tilespmem:s16], [sflag:$0x2] =	stream.indirect.gather [hbm4b:s3+s11], $0x40, s23, s11, $0xb8;
	[tilespmem:$0x11400] =	vst v63  }
0x6a: {  	_ =	swait.ge [sflag:s17], $0x1800  }
0x6b: {  	[sflag:s17] =	ssyncset.done $0x0  }
0x6c: {  	[sflag:s17] =	ssyncadd.s32 $0xFFFFE800  }
0x6d: {  	_ =	swait.ge [sflag:s17], $0x1800  }
0x6e: {  	[sflag:s17] =	ssyncset.done $0x0  }
0x6f: {  	[sflag:s17] =	ssyncadd.s32 $0xFFFFE800  }
0x70: {  	_ =	swait.ge [sflag:s17], $0x200  }
0x71: {  	[sflag:s17] =	ssyncset.done $0x0  }
0x72: {  	s31 =	simm.s32 $0x9100;
	[sflag:s17] =	ssyncadd.s32 $0xFFFFFE00  }
0x73: {  	v1 =	vld [tilespmem:s31+$0xC0]  }
0x74: {  	v2 =	vld [tilespmem:s31+$0xD0]  }
0x75: {  	v3 =	vld [tilespmem:s31+$0x80]  }
0x76: {  	v4 =	vld [tilespmem:s31+$0x90]  }
0x77: {  	v10 =	vld [tilespmem:s31+$0x40]  }
0x78: {  	v13 =	vld [tilespmem:s31+$0x50]  }
0x79: {  	v8 =	vld [tilespmem:s31+$0x0]  }
0x7a: {  	v9 =	vld [tilespmem:s31+$0x10]  }
0x7b: {  	v6 =	vld [tilespmem:s31+$0xFFFFFFC0]  }
0x7c: {  	v7 =	vld [tilespmem:s31+$0xFFFFFFD0]  }
0x7d: {  	v5 =	vld [tilespmem:s31+$0xFFFFFF80]  }
0x7e: {  	v11 =	vld [tilespmem:s31+$0xFFFFFF90]  }
0x7f: {  	v12 =	vld [tilespmem:s31+$0xFFFFFF40]  }
0x80: {  	v14 =	vld [tilespmem:s31+$0xFFFFFF50]  }
0x81: {  	v15 =	vld [tilespmem:s31+$0xFFFFFF00]  }
0x82: {  	v16 =	vld [tilespmem:s31+$0xFFFFFF10]  }
0x83: {  	v17 =	vld [tilespmem:s31+$0xFFFFFF20]  }
0x84: {  	v18 =	vld [tilespmem:s31+$0xFFFFFF30]  }
0x85: {  	v19 =	vld [tilespmem:s31+$0xFFFFFF60]  }
0x86: {  	v20 =	vld [tilespmem:s31+$0xFFFFFF70]  }
0x87: {  	v21 =	vimm.f32 $0.0e+00;
	v22 =	vld [tilespmem:s31+$0xFFFFFFA0]  }
0x88: {  	v23 =	vld [tilespmem:s31+$0xFFFFFFB0];
	v15 =	vadd.f32 v15, v21;
	v16 =	vadd.f32 v16, v21  }
0x89: {  	v58 =	vld [tilespmem:s31+$0xFFFFFFE0];
	v17 =	vadd.f32 v17, v21;
	v18 =	vadd.f32 v18, v21  }
0x8a: {  	v12 =	vadd.f32 v12, v15;
	v14 =	vadd.f32 v14, v16;
	v15 =	vld [tilespmem:s31+$0xFFFFFFF0]  }
0x8b: {  	v61 =	vld [tilespmem:s31+$0x20];
	v59 =	vadd.f32 v19, v17;
	v60 =	vadd.f32 v20, v18  }
0x8c: {  	v12 =	vadd.f32 v5, v12;
	v11 =	vadd.f32 v11, v14;
	v14 =	vld [tilespmem:s31+$0x30]  }
0x8d: {  	v16 =	vadd.f32 v22, v59;
	v17 =	vadd.f32 v23, v60;
	v5 =	vld [tilespmem:s31+$0x60]  }
0x8e: {  	v12 =	vadd.f32 v6, v12;
	v11 =	vadd.f32 v7, v11;
	v7 =	vld [tilespmem:s31+$0x70]  }
0x8f: {  	v16 =	vadd.f32 v58, v16;
	v6 =	vld [tilespmem:s31+$0xA0];
	v15 =	vadd.f32 v15, v17  }
0x90: {  	v62 =	vadd.f32 v8, v12;
	v63 =	vadd.f32 v9, v11;
	v9 =	vld [tilespmem:s31+$0xB0]  }
0x91: {  	v12 =	vadd.f32 v61, v16;
	v8 =	vld [tilespmem:s31+$0xE0];
	v11 =	vadd.f32 v14, v15  }
0x92: {  	s24 =	simm.s32 $0x9300;
	s23 =	simm.s32 $0x0;
	v14 =	vadd.f32 v10, v62;
	v13 =	vadd.f32 v13, v63;
	v10 =	vld [tilespmem:s31+$0xF0]  }
.LBB2_5:
0x93: {  	v15 =	vld [tilespmem:s24+$0xC0];
	v5 =	vadd.f32 v5, v12;
	v7 =	vadd.f32 v7, v11  }
0x94: {  	v11 =	vld [tilespmem:s24+$0xD0];
	v12 =	vadd.f32 v3, v14;
	v13 =	vadd.f32 v4, v13  }
0x95: {  	v3 =	vld [tilespmem:s24+$0x80];
	v5 =	vadd.f32 v6, v5;
	v6 =	vadd.f32 v9, v7  }
0x96: {  	v4 =	vld [tilespmem:s24+$0x90];
	v7 =	vadd.f32 v1, v12;
	v9 =	vadd.f32 v2, v13  }
0x97: {  	v13 =	vld [tilespmem:s24+$0x40];
	v5 =	vadd.f32 v8, v5;
	v6 =	vadd.f32 v10, v6  }
0x98: {  	v10 =	vld [tilespmem:s24+$0x50];
	v1 =	vmov v15  }
0x99: {  	v8 =	vld [tilespmem:s24+$0x0];
	v2 =	vmov v11  }
0x9a: {  	v11 =	vld [tilespmem:s24+$0x10]  }
0x9b: {  	v12 =	vld [tilespmem:s24+$0xFFFFFFC0]  }
0x9c: {  	v14 =	vld [tilespmem:s24+$0xFFFFFFD0]  }
0x9d: {  	v15 =	vld [tilespmem:s24+$0xFFFFFF80]  }
0x9e: {  	v16 =	vld [tilespmem:s24+$0xFFFFFF90]  }
0x9f: {  	v17 =	vld [tilespmem:s24+$0xFFFFFF40]  }
0xa0: {  	v18 =	vld [tilespmem:s24+$0xFFFFFF50]  }
0xa1: {  	v19 =	vld [tilespmem:s24+$0xFFFFFF00]  }
0xa2: {  	v20 =	vld [tilespmem:s24+$0xFFFFFF10]  }
0xa3: {  	v21 =	vld [tilespmem:s24+$0xFFFFFF20]  }
0xa4: {  	s23 =	sadd.s32 $0x8, s23;
	v22 =	vld [tilespmem:s24+$0xFFFFFF30]  }
0xa5: {  	p0 =	slt.u32 s23, $0xC0;
	v23 =	vld [tilespmem:s24+$0xFFFFFF60]  }
0xa6: {  	v24 =	vld [tilespmem:s24+$0xFFFFFF70]  }
0xa7: {  	v25 =	vld [tilespmem:s24+$0xFFFFFFA0]  }
0xa8: {  	v7 =	vadd.f32 v19, v7;
	v9 =	vadd.f32 v20, v9;
	v19 =	vld [tilespmem:s24+$0xFFFFFFB0]  }
0xa9: {  	v5 =	vadd.f32 v21, v5;
	v6 =	vadd.f32 v22, v6;
	v20 =	vld [tilespmem:s24+$0xFFFFFFE0]  }
0xaa: {  	v7 =	vadd.f32 v17, v7;
	v9 =	vadd.f32 v18, v9;
	v17 =	vld [tilespmem:s24+$0xFFFFFFF0]  }
0xab: {  	v5 =	vadd.f32 v23, v5;
	v6 =	vadd.f32 v24, v6;
	v18 =	vld [tilespmem:s24+$0x20]  }
0xac: {  	v7 =	vadd.f32 v15, v7;
	v9 =	vadd.f32 v16, v9;
	v15 =	vld [tilespmem:s24+$0x30]  }
0xad: {  	v16 =	vadd.f32 v25, v5;
	v6 =	vadd.f32 v19, v6;
	v5 =	vld [tilespmem:s24+$0x60]  }
.Ltmp1:
0xae: {  	v12 =	vadd.f32 v12, v7;
	v9 =	vadd.f32 v14, v9;
	v7 =	vld [tilespmem:s24+$0x70];
	(pc) =	sbr.rel @p0 .LBB2_5-.Ltmp1, $4  }
0xaf: {  	v14 =	vadd.f32 v20, v16;
	v16 =	vadd.f32 v17, v6;
	v6 =	vld [tilespmem:s24+$0xA0]  }
0xb0: {  	v17 =	vadd.f32 v8, v12;
	v19 =	vadd.f32 v11, v9;
	v9 =	vld [tilespmem:s24+$0xB0]  }
0xb1: {  	v12 =	vadd.f32 v18, v14;
	v11 =	vadd.f32 v15, v16;
	v8 =	vld [tilespmem:s24+$0xE0]  }
0xb2: {  	v14 =	vadd.f32 v13, v17;
	v13 =	vadd.f32 v10, v19;
	v10 =	vld [tilespmem:s24+$0xF0];
	s24 =	sadd.s32 $0x200, s24  }
0xb3: {  	_ = 	snop  }
0xb4: {  	v5 =	vadd.f32 v5, v12;
	v3 =	vadd.f32 v3, v14  }
0xb5: {  	v7 =	vadd.f32 v7, v11;
	v4 =	vadd.f32 v4, v13  }
0xb6: {  	v5 =	vadd.f32 v6, v5;
	v1 =	vadd.f32 v1, v3  }
0xb7: {  	v3 =	vadd.f32 v9, v7;
	v2 =	vadd.f32 v2, v4  }
0xb8: {  	s23 =	sshll.u32 s21, $0x7;
	v4 =	vadd.f32 v8, v5;
	v1 =	vmul.f32 $4.999999890e-03, v1  }
0xb9: {  	p0 =	seq.s32 s21, $0x3F;
	s23 =	sand.u32 $0x3FFFFF80, s23;
	v3 =	vadd.f32 v10, v3;
	v2 =	vmul.f32 $4.999999890e-03, v2  }
0xba: {  	s24 =	smul.u32 @!p0 $0x900, s21;
	[tilespmem:s23+$0xF400] =	vst v1;
	v1 =	vmul.f32 $4.999999890e-03, v4  }
0xbb: {  	[tilespmem:s23+$0xF410] =	vst v2;
	v2 =	vmul.f32 $4.999999890e-03, v3  }
0xbc: {  	s24 =	sshra.s32 @!p0 s24, $0x2;
	[tilespmem:s23+$0xF420] =	vst v1  }
0xbd: {  	s25 =	simm.s32 @!p0 $0x60;
	s26 =	simm.s32 @!p0 $0x9000;
	[tilespmem:s23+$0xF430] =	vst v2;
	s23 =	sadd.s32 @!p0 $0x240, s24  }
0xbe: {  	[tilespmem:s26], [sflag:$0x1] =	stream.indirect.gather @!p0 [hbm4b:s3+s25], $0x40, s23, s25, $0xb8;
	[tilespmem:$0x11400] =	vst v63  }
0xbf: {  	s23 =	sadd.s32 @!p0 $0x2A0, s24;
	s26 =	simm.s32 @!p0 $0xA800  }
0xc0: {  	[tilespmem:s26], [sflag:$0x1] =	stream.indirect.gather @!p0 [hbm4b:s3+s25], $0x40, s23, s25, $0xb8;
	[tilespmem:$0x11400] =	vst v63  }
0xc1: {  	s23 =	sadd.s32 @!p0 $0x300, s24;
	s24 =	simm.s32 @!p0 $0x8;
	s25 =	simm.s32 @!p0 $0xC000  }
0xc2: {  	[tilespmem:s25], [sflag:$0x1] =	stream.indirect.gather @!p0 [hbm4b:s3+s24], $0x40, s23, s24, $0xb8;
	[tilespmem:$0x11400] =	vst v63  }
0xc3: {  	_ =	swait.ge [sflag:s18], $0x1800  }
0xc4: {  	[sflag:s18] =	ssyncset.done $0x0  }
0xc5: {  	[sflag:s18] =	ssyncadd.s32 $0xFFFFE800  }
0xc6: {  	_ =	swait.ge [sflag:s18], $0x1800  }
0xc7: {  	[sflag:s18] =	ssyncset.done $0x0  }
0xc8: {  	[sflag:s18] =	ssyncadd.s32 $0xFFFFE800  }
0xc9: {  	_ =	swait.ge [sflag:s18], $0x200  }
0xca: {  	[sflag:s18] =	ssyncset.done $0x0  }
0xcb: {  	s31 =	simm.s32 $0xC300;
	[sflag:s18] =	ssyncadd.s32 $0xFFFFFE00  }
0xcc: {  	v1 =	vld [tilespmem:s31+$0xC0]  }
0xcd: {  	v2 =	vld [tilespmem:s31+$0xD0]  }
0xce: {  	v3 =	vld [tilespmem:s31+$0x80]  }
0xcf: {  	v4 =	vld [tilespmem:s31+$0x90]  }
0xd0: {  	v10 =	vld [tilespmem:s31+$0x40]  }
0xd1: {  	v13 =	vld [tilespmem:s31+$0x50]  }
0xd2: {  	v8 =	vld [tilespmem:s31+$0x0]  }
0xd3: {  	v9 =	vld [tilespmem:s31+$0x10]  }
0xd4: {  	v6 =	vld [tilespmem:s31+$0xFFFFFFC0]  }
0xd5: {  	v7 =	vld [tilespmem:s31+$0xFFFFFFD0]  }
0xd6: {  	v5 =	vld [tilespmem:s31+$0xFFFFFF80]  }
0xd7: {  	v11 =	vld [tilespmem:s31+$0xFFFFFF90]  }
0xd8: {  	v12 =	vld [tilespmem:s31+$0xFFFFFF40]  }
0xd9: {  	v14 =	vld [tilespmem:s31+$0xFFFFFF50]  }
0xda: {  	v15 =	vld [tilespmem:s31+$0xFFFFFF00]  }
0xdb: {  	v16 =	vld [tilespmem:s31+$0xFFFFFF10]  }
0xdc: {  	v17 =	vld [tilespmem:s31+$0xFFFFFF20]  }
0xdd: {  	v18 =	vld [tilespmem:s31+$0xFFFFFF30]  }
0xde: {  	v19 =	vld [tilespmem:s31+$0xFFFFFF60]  }
0xdf: {  	v20 =	vld [tilespmem:s31+$0xFFFFFF70]  }
0xe0: {  	v21 =	vimm.f32 $0.0e+00;
	v22 =	vld [tilespmem:s31+$0xFFFFFFA0]  }
0xe1: {  	v23 =	vld [tilespmem:s31+$0xFFFFFFB0];
	v15 =	vadd.f32 v15, v21;
	v16 =	vadd.f32 v16, v21  }
0xe2: {  	v58 =	vld [tilespmem:s31+$0xFFFFFFE0];
	v17 =	vadd.f32 v17, v21;
	v18 =	vadd.f32 v18, v21  }
0xe3: {  	v12 =	vadd.f32 v12, v15;
	v14 =	vadd.f32 v14, v16;
	v15 =	vld [tilespmem:s31+$0xFFFFFFF0]  }
0xe4: {  	v61 =	vld [tilespmem:s31+$0x20];
	v59 =	vadd.f32 v19, v17;
	v60 =	vadd.f32 v20, v18  }
0xe5: {  	v12 =	vadd.f32 v5, v12;
	v11 =	vadd.f32 v11, v14;
	v14 =	vld [tilespmem:s31+$0x30]  }
0xe6: {  	v16 =	vadd.f32 v22, v59;
	v17 =	vadd.f32 v23, v60;
	v5 =	vld [tilespmem:s31+$0x60]  }
0xe7: {  	v12 =	vadd.f32 v6, v12;
	v11 =	vadd.f32 v7, v11;
	v7 =	vld [tilespmem:s31+$0x70]  }
0xe8: {  	v16 =	vadd.f32 v58, v16;
	v6 =	vld [tilespmem:s31+$0xA0];
	v15 =	vadd.f32 v15, v17  }
0xe9: {  	v62 =	vadd.f32 v8, v12;
	v63 =	vadd.f32 v9, v11;
	v9 =	vld [tilespmem:s31+$0xB0]  }
0xea: {  	v12 =	vadd.f32 v61, v16;
	v8 =	vld [tilespmem:s31+$0xE0];
	v11 =	vadd.f32 v14, v15  }
0xeb: {  	s23 =	simm.s32 $0x0;
	s24 =	simm.s32 $0xC500;
	v14 =	vadd.f32 v10, v62;
	v13 =	vadd.f32 v13, v63;
	v10 =	vld [tilespmem:s31+$0xF0]  }
.LBB2_7:
0xec: {  	v15 =	vld [tilespmem:s24+$0xC0];
	v5 =	vadd.f32 v5, v12;
	v7 =	vadd.f32 v7, v11  }
0xed: {  	v11 =	vld [tilespmem:s24+$0xD0];
	v12 =	vadd.f32 v3, v14;
	v13 =	vadd.f32 v4, v13  }
0xee: {  	v3 =	vld [tilespmem:s24+$0x80];
	v5 =	vadd.f32 v6, v5;
	v6 =	vadd.f32 v9, v7  }
0xef: {  	v4 =	vld [tilespmem:s24+$0x90];
	v7 =	vadd.f32 v1, v12;
	v9 =	vadd.f32 v2, v13  }
0xf0: {  	v13 =	vld [tilespmem:s24+$0x40];
	v5 =	vadd.f32 v8, v5;
	v6 =	vadd.f32 v10, v6  }
0xf1: {  	v10 =	vld [tilespmem:s24+$0x50];
	v1 =	vmov v15  }
0xf2: {  	v8 =	vld [tilespmem:s24+$0x0];
	v2 =	vmov v11  }
0xf3: {  	v11 =	vld [tilespmem:s24+$0x10]  }
0xf4: {  	v12 =	vld [tilespmem:s24+$0xFFFFFFC0]  }
0xf5: {  	v14 =	vld [tilespmem:s24+$0xFFFFFFD0]  }
0xf6: {  	v15 =	vld [tilespmem:s24+$0xFFFFFF80]  }
0xf7: {  	v16 =	vld [tilespmem:s24+$0xFFFFFF90]  }
0xf8: {  	v17 =	vld [tilespmem:s24+$0xFFFFFF40]  }
0xf9: {  	v18 =	vld [tilespmem:s24+$0xFFFFFF50]  }
0xfa: {  	v19 =	vld [tilespmem:s24+$0xFFFFFF00]  }
0xfb: {  	v20 =	vld [tilespmem:s24+$0xFFFFFF10]  }
0xfc: {  	v21 =	vld [tilespmem:s24+$0xFFFFFF20]  }
0xfd: {  	s23 =	sadd.s32 $0x8, s23;
	v22 =	vld [tilespmem:s24+$0xFFFFFF30]  }
0xfe: {  	p0 =	slt.u32 s23, $0xC0;
	v23 =	vld [tilespmem:s24+$0xFFFFFF60]  }
0xff: {  	v24 =	vld [tilespmem:s24+$0xFFFFFF70]  }
0x100: {  	v25 =	vld [tilespmem:s24+$0xFFFFFFA0]  }
0x101: {  	v7 =	vadd.f32 v19, v7;
	v9 =	vadd.f32 v20, v9;
	v19 =	vld [tilespmem:s24+$0xFFFFFFB0]  }
0x102: {  	v5 =	vadd.f32 v21, v5;
	v6 =	vadd.f32 v22, v6;
	v20 =	vld [tilespmem:s24+$0xFFFFFFE0]  }
0x103: {  	v7 =	vadd.f32 v17, v7;
	v9 =	vadd.f32 v18, v9;
	v17 =	vld [tilespmem:s24+$0xFFFFFFF0]  }
0x104: {  	v5 =	vadd.f32 v23, v5;
	v6 =	vadd.f32 v24, v6;
	v18 =	vld [tilespmem:s24+$0x20]  }
0x105: {  	v7 =	vadd.f32 v15, v7;
	v9 =	vadd.f32 v16, v9;
	v15 =	vld [tilespmem:s24+$0x30]  }
0x106: {  	v16 =	vadd.f32 v25, v5;
	v6 =	vadd.f32 v19, v6;
	v5 =	vld [tilespmem:s24+$0x60]  }
.Ltmp2:
0x107: {  	v12 =	vadd.f32 v12, v7;
	v9 =	vadd.f32 v14, v9;
	v7 =	vld [tilespmem:s24+$0x70];
	(pc) =	sbr.rel @p0 .LBB2_7-.Ltmp2, $4  }
0x108: {  	v14 =	vadd.f32 v20, v16;
	v16 =	vadd.f32 v17, v6;
	v6 =	vld [tilespmem:s24+$0xA0]  }
0x109: {  	v17 =	vadd.f32 v8, v12;
	v19 =	vadd.f32 v11, v9;
	v9 =	vld [tilespmem:s24+$0xB0]  }
0x10a: {  	v12 =	vadd.f32 v18, v14;
	v11 =	vadd.f32 v15, v16;
	v8 =	vld [tilespmem:s24+$0xE0]  }
0x10b: {  	v14 =	vadd.f32 v13, v17;
	v13 =	vadd.f32 v10, v19;
	v10 =	vld [tilespmem:s24+$0xF0];
	s24 =	sadd.s32 $0x200, s24  }
0x10c: {  	_ = 	snop  }
0x10d: {  	v5 =	vadd.f32 v5, v12;
	v3 =	vadd.f32 v3, v14  }
0x10e: {  	v7 =	vadd.f32 v7, v11;
	v4 =	vadd.f32 v4, v13  }
0x10f: {  	v5 =	vadd.f32 v6, v5;
	v1 =	vadd.f32 v1, v3  }
0x110: {  	s21 =	sadd.s32 $0x1, s21;
	v3 =	vadd.f32 v9, v7;
	v2 =	vadd.f32 v2, v4  }
0x111: {  	s22 =	sshll.u32 s22, $0x6;
	p0 =	sne.s32 s21, $0x40;
	v63 =	vadd.f32 v8, v5;
	v1 =	vmul.f32 $4.999999890e-03, v1  }
.Ltmp3:
0x112: {  	s22 =	sand.u32 $0x3FFFFFC0, s22;
	v3 =	vadd.f32 v10, v3;
	v2 =	vmul.f32 $4.999999890e-03, v2;
	(pc) =	sbr.rel @p0 .LBB2_4-.Ltmp3, $4  }
0x113: {  	[tilespmem:s22+$0xF400] =	vst v1;
	v1 =	vmul.f32 $4.999999890e-03, v63  }
0x114: {  	[tilespmem:s22+$0xF410] =	vst v2;
	v2 =	vmul.f32 $4.999999890e-03, v3  }
0x115: {  	[tilespmem:s22+$0xF420] =	vst v1  }
0x116: {  	[tilespmem:s22+$0xF430] =	vst v2  }
0x117: {  	s20 =	sadd.s32 $0x1, s20  }
0x118: {  	p0 =	sne.s32 s20, s6  }
.Ltmp4:
0x119: {  	_ = 	snop;
	(pc) =	sbr.rel @p0 .LBB2_1-.Ltmp4, $4  }
0x11a: {  	[hbm4b:s5+s2] =	stream.linear.scatter [tilespmem:s19], [sflag:$0x3], $0x2000, $0x38;
	[tilespmem:$0x11400] =	vst v63  }
0x11b: {  	_ =	swait.ge [sflag:s7], $0x2000  }
0x11c: {  	[sflag:s7] =	ssyncset.done $0x0  }
0x11d: {  	[sflag:s7] =	ssyncadd.s32 $0xFFFFE000  }
0x11e: {  	_ =	sfence.sel $0x180000  }
0x11f: {  	[bflag:$0x0] =	sbarrier.arrive $0xFFFF  }
0x120: {  	p0 =	sne.s32 s0, $0x0;
	_ =	strace $0x90000047  }
0x121: {  	s0 =	sadd.s32 @!p0 $0x100000, s1;
	[bflag:$0x2] =	sbarrier.arrive $0xFFFF  }
0x122: {  	[sflag:s0] =	ssyncadd.tile.s32 @!p0 $0x1;
	_ =	shalt  }
.Lfunc_end2:
_tile_overlayer_lowered:
.L_overlay_start_2:
0x123: {  	(tag) =	ssettag $0x2  }
0x124: {  	s0 =	rddreg [dreg:$0x0];
	s2 =	stileid.u32  }
0x125: {  	s1 =	rddreg [dreg:$0x1];
	p0 =	sne.s32 s2, $0x0  }
0x126: {  	s3 =	rddreg [dreg:$0x2];
	[bflag:$0x3] =	sbarrier.arrive $0xFFFF;
	s2 =	simm.s32 @!p0 $0x1C03  }
0x127: {  	[timem:s3], [sflag:s2] =	dma.local @!p0 [hbm:s0], s1  }
0x128: {  	s0 =	simm.s32 @!p0 $0x3  }
0x129: {  	_ =	swait.ge @!p0 [sflag:s0], s1  }
0x12a: {  	s1 =	ssub.s32 @!p0 $0x0, s1;
	[sflag:s0] =	ssyncset.done @!p0 $0x0  }
0x12b: {  	[sflag:s0] =	ssyncadd.s32 @!p0 s1  }
0x12c: {  	[bflag:$0x3] =	sbarrier.arrive $0xFFFF  }
0x12d: {  	_ =	shalt  }

</sc_bundles>
